<compile_context>
chip_gen: v7x
topology: tpu7x:2x2x1
jax: 0.10.2.dev20260603
libtpu: 0.0.44.dev20260713+nightly
codegen_flags: <defaults>
</compile_context>

<pallas_src>
import functools

import jax
import jax.numpy as jnp
from jax import lax
from jax.experimental import pallas as pl
from jax.experimental.pallas import tpu as pltpu
from jax.experimental.pallas import tpu_sc as plsc

N = 10000
E = 320000
D = 128
H = 8
DH = 16
NB = 10

NC = 2
NS = 16
NW = NC * NS
EW = E // NW
C = 80
NCHUNK = EW // C

HALF_A = 4096
HALF_B = 1024
ABASE = NC * HALF_A
NR_A = 4480
NR_B = 1152

_scp = pltpu.CompilerParams(needs_layout_passes=False, use_tc_tiling_on_sc=False)



def _pre_body(emb_ref, w1t_ref, w2t_ref, wat_ref, b_ref, ab_ref, a_ref, bm_ref):
    x = emb_ref[...]
    a_ref[...] = jnp.dot(x, w1t_ref[...], preferred_element_type=jnp.float32) + b_ref[...]
    bm_ref[:, :D] = jnp.dot(x, w2t_ref[...], preferred_element_type=jnp.float32)
    bm_ref[:, D:] = jnp.dot(x, wat_ref[...], preferred_element_type=jnp.float32) + ab_ref[...]


def _tc_pre(emb, w1t, w2t, wat, b2, ab2):
    rows = 400
    return pl.pallas_call(
        _pre_body,
        grid=(N // rows,),
        in_specs=[
            pl.BlockSpec((rows, D), lambda i: (i, 0)),
            pl.BlockSpec((D, D), lambda i: (0, 0)),
            pl.BlockSpec((D, D), lambda i: (0, 0)),
            pl.BlockSpec((D, D), lambda i: (0, 0)),
            pl.BlockSpec((1, D), lambda i: (0, 0)),
            pl.BlockSpec((1, D), lambda i: (0, 0)),
        ],
        out_specs=[
            pl.BlockSpec((rows, D), lambda i: (i, 0)),
            pl.BlockSpec((rows, 2 * D), lambda i: (i, 0)),
        ],
        out_shape=[
            jax.ShapeDtypeStruct((N, D), jnp.float32),
            jax.ShapeDtypeStruct((N, 2 * D), jnp.float32),
        ],
    )(emb, w1t, w2t, wat, b2, ab2)



def _zero_stripe(zbuf, acc, base, rt):
    zero = jnp.zeros((16,), jnp.float32)

    @pl.loop(0, rt)
    def _zb(i):
        for j in range(D // 16):
            zbuf[i, pl.ds(j * 16, 16)] = zero

    pltpu.sync_copy(zbuf, acc.at[pl.ds(base, rt)])


def _export(acc, num_hbm, s_hbm, c, s, half):
    nrows = half // NS
    nb = s * nrows
    pltpu.sync_copy(acc.at[pl.ds(nb, nrows)], num_hbm.at[c, pl.ds(nb, nrows)])

    @pl.when(s < 8)
    def _sexp():
        srows = half // DH // 8
        sb = s * srows
        pltpu.sync_copy(acc.at[pl.ds(half + sb, srows)],
                        s_hbm.at[c, pl.ds(sb, srows)])


def _route(hidx_v, sidx_v, sidx2_v, base_node, half, dump):
    @pl.loop(0, C // 16)
    def _si(g):
        sl = pl.ds(g * 16, 16)
        lr = hidx_v[sl] - base_node
        valid = jnp.logical_and(lr >= 0, lr < half)
        sidx_v[sl] = jnp.where(valid, lr, dump)
        sidx2_v[sl] = jnp.where(valid, half + lax.shift_right_logical(lr, 4), dump)



def _sca_body(a_hbm, bm_hbm, hidx_hbm, tidx_hbm, bins_hbm, avec_hbm, abin_hbm,
              num_hbm, s_hbm, wmdef_hbm, wdef_hbm, hidx_v, tidx_v, bins_v,
              sidx_v, sidx2_v, a_rows, bm_rows, wm, ws_src, wcomp, avec_v,
              abin_v, zbuf, acc, sem1, sem2):
    c = lax.axis_index("c")
    s = lax.axis_index("s")
    wid = c * NS + s
    base_node = c * HALF_A
    dump = HALF_A + HALF_A // DH

    pltpu.sync_copy(avec_hbm, avec_v)
    pltpu.sync_copy(abin_hbm, abin_v)

    rt = NR_A // NS
    _zero_stripe(zbuf, acc, s * rt, rt)
    plsc.subcore_barrier()

    zero = jnp.zeros((16,), jnp.float32)
    ebase = wid * EW

    @pl.loop(0, NCHUNK)
    def _chunk(ci):
        off = ebase + ci * C
        ld1 = pltpu.async_copy(hidx_hbm.at[pl.ds(off, C)], hidx_v, sem1)
        ld2 = pltpu.async_copy(tidx_hbm.at[pl.ds(off, C)], tidx_v, sem1)
        ld3 = pltpu.async_copy(bins_hbm.at[pl.ds(off, C)], bins_v, sem1)
        ld1.wait()
        ld2.wait()
        ld3.wait()
        cp1 = pltpu.async_copy(a_hbm.at[hidx_v], a_rows, sem1)
        cp2 = pltpu.async_copy(bm_hbm.at[tidx_v], bm_rows, sem2)
        _route(hidx_v, sidx_v, sidx2_v, base_node, HALF_A, dump)
        cp1.wait()
        cp2.wait()

        @pl.loop(0, C)
        def _l1(e):
            for h in range(H):
                sl = pl.ds(h * 16, 16)
                x = a_rows[e, sl] + bm_rows[e, sl]
                y = jnp.maximum(x, x * 0.2)
                a_rows[e, sl] = plsc.cumsum(y * avec_v[sl])
                ws_src[e, sl] = zero

        @pl.loop(0, C // 16)
        def _l2(g):
            eids = g * 16 + lax.iota(jnp.int32, 16)
            sl = pl.ds(g * 16, 16)
            bv = bins_v[sl]
            wcol = jnp.bitwise_and(hidx_v[sl] - base_node, 15) * H
            for h in range(H):
                lastl = jnp.full((16,), h * 16 + 15, jnp.int32)
                raw = plsc.load_gather(a_rows, [eids, lastl])
                bb = plsc.load_gather(abin_v, [bv * H + h])
                w = jnp.exp(raw + bb)
                plsc.store_scatter(wcomp, [eids, jnp.full((16,), h, jnp.int32)], w)
                plsc.store_scatter(ws_src, [eids, wcol + h], w)

        @pl.loop(0, C)
        def _l3(e):
            ev = jnp.full((16,), e, jnp.int32)
            for h in range(H):
                wspl = plsc.load_gather(wcomp, [ev, jnp.full((16,), h, jnp.int32)])
                m = bm_rows[e, pl.ds(D + h * 16, 16)]
                wm[e, pl.ds(h * 16, 16)] = m * wspl

        st3 = pltpu.async_copy(wm, wmdef_hbm.at[pl.ds(off, C)], sem1)
        st4 = pltpu.async_copy(wcomp, wdef_hbm.at[pl.ds(off, C)], sem2)
        pltpu.sync_copy(wm, acc.at[sidx_v], add=True)
        pltpu.sync_copy(ws_src, acc.at[sidx2_v], add=True)
        st3.wait()
        st4.wait()

    plsc.subcore_barrier()
    _export(acc, num_hbm, s_hbm, c, s, HALF_A)


def _sc_phase_a(a_tab, bm_tab, hidx, tidx, bins, avec, abin):
    mesh = plsc.VectorSubcoreMesh(core_axis_name="c", subcore_axis_name="s")
    fn = pl.kernel(
        _sca_body,
        out_type=(
            jax.ShapeDtypeStruct((NC, HALF_A, D), jnp.float32),
            jax.ShapeDtypeStruct((NC, HALF_A // DH, D), jnp.float32),
            jax.ShapeDtypeStruct((E, D), jnp.float32),
            jax.ShapeDtypeStruct((E, DH), jnp.float32),
        ),
        mesh=mesh,
        compiler_params=_scp,
        scratch_types=[
            pltpu.VMEM((C,), jnp.int32),
            pltpu.VMEM((C,), jnp.int32),
            pltpu.VMEM((C,), jnp.int32),
            pltpu.VMEM((C,), jnp.int32),
            pltpu.VMEM((C,), jnp.int32),
            pltpu.VMEM((C, D), jnp.float32),
            pltpu.VMEM((C, 2 * D), jnp.float32),
            pltpu.VMEM((C, D), jnp.float32),
            pltpu.VMEM((C, D), jnp.float32),
            pltpu.VMEM((C, DH), jnp.float32),
            pltpu.VMEM((D,), jnp.float32),
            pltpu.VMEM((NB * H,), jnp.float32),
            pltpu.VMEM((NR_A // NS, D), jnp.float32),
            pltpu.VMEM_SHARED((NR_A, D), jnp.float32),
            pltpu.SemaphoreType.DMA,
            pltpu.SemaphoreType.DMA,
        ],
    )
    return fn(a_tab, bm_tab, hidx, tidx, bins, avec, abin)



def _scb_body(nr, half, cross, wmdef_hbm, wdef_hbm, hidx_hbm, num_hbm, s_hbm,
              hidx_v, sidx_v, sidx2_v, wm_v, wcomp_v, ws_src, zbuf, acc,
              sem1, sem2, sem3):
    c = lax.axis_index("c")
    s = lax.axis_index("s")
    dump = half + half // DH
    if cross:
        base_node = c * half
        obase = ((1 - c) * NS + s) * EW
        nchunk = EW // C
    else:
        base_node = ABASE + c * half
        obase = s * (E // NS)
        nchunk = E // NS // C

    rt = nr // NS
    _zero_stripe(zbuf, acc, s * rt, rt)
    plsc.subcore_barrier()

    zero = jnp.zeros((16,), jnp.float32)

    @pl.loop(0, nchunk)
    def _chunk(ci):
        off = obase + ci * C
        cp1 = pltpu.async_copy(wmdef_hbm.at[pl.ds(off, C)], wm_v, sem1)
        cp2 = pltpu.async_copy(wdef_hbm.at[pl.ds(off, C)], wcomp_v, sem2)
        ld1 = pltpu.async_copy(hidx_hbm.at[pl.ds(off, C)], hidx_v, sem3)
        ld1.wait()
        _route(hidx_v, sidx_v, sidx2_v, base_node, half, dump)

        @pl.loop(0, C)
        def _z(e):
            for j in range(H):
                ws_src[e, pl.ds(j * 16, 16)] = zero

        cp2.wait()

        @pl.loop(0, C // 16)
        def _w(g):
            eids = g * 16 + lax.iota(jnp.int32, 16)
            wcol = jnp.bitwise_and(hidx_v[pl.ds(g * 16, 16)] - base_node, 15) * H
            for h in range(H):
                wv = plsc.load_gather(wcomp_v, [eids, jnp.full((16,), h, jnp.int32)])
                plsc.store_scatter(ws_src, [eids, wcol + h], wv)

        cp1.wait()
        pltpu.sync_copy(wm_v, acc.at[sidx_v], add=True)
        pltpu.sync_copy(ws_src, acc.at[sidx2_v], add=True)

    plsc.subcore_barrier()
    _export(acc, num_hbm, s_hbm, c, s, half)


def _sc_phase_b(wmdef, wdef, hidx, nr, half, cross):
    mesh = plsc.VectorSubcoreMesh(core_axis_name="c", subcore_axis_name="s")
    fn = pl.kernel(
        functools.partial(_scb_body, nr, half, cross),
        out_type=(
            jax.ShapeDtypeStruct((NC, half, D), jnp.float32),
            jax.ShapeDtypeStruct((NC, half // DH, D), jnp.float32),
        ),
        mesh=mesh,
        compiler_params=_scp,
        scratch_types=[
            pltpu.VMEM((C,), jnp.int32),
            pltpu.VMEM((C,), jnp.int32),
            pltpu.VMEM((C,), jnp.int32),
            pltpu.VMEM((C, D), jnp.float32),
            pltpu.VMEM((C, DH), jnp.float32),
            pltpu.VMEM((C, D), jnp.float32),
            pltpu.VMEM((nr // NS, D), jnp.float32),
            pltpu.VMEM_SHARED((nr, D), jnp.float32),
            pltpu.SemaphoreType.DMA,
            pltpu.SemaphoreType.DMA,
            pltpu.SemaphoreType.DMA,
        ],
    )
    return fn(wmdef, wdef, hidx)



_RB = 16


def _post_body(na_ref, nb1_ref, nb2_ref, sa_ref, sb1_ref, sb2_ref, out_ref):
    pid = pl.program_id(0)
    in_a = pid < (ABASE // _RB)
    nm = jnp.where(in_a, na_ref[0] + nb1_ref[0], nb2_ref[0])
    s8 = jnp.where(in_a, sa_ref[0] + sb1_ref[0], sb2_ref[0])
    rowi = lax.broadcasted_iota(jnp.int32, (H, D), 0)
    colj = lax.broadcasted_iota(jnp.int32, (H, D), 1)
    erep = jnp.where(colj // DH == rowi, 1.0, 0.0).astype(jnp.float32)
    den = jnp.dot(s8, erep, preferred_element_type=jnp.float32)
    out_ref[...] = nm / (den + 1e-16)


def _tc_post(na, nb1, nb2, sa, sb1, sb2):
    bpc_a = HALF_A // _RB
    bpc_b = HALF_B // _RB

    def amap(i):
        c = jnp.minimum(i // bpc_a, 1)
        return (c, jnp.clip(i - c * bpc_a, 0, bpc_a - 1), 0)

    def bmap(i):
        j = jnp.maximum(i - 2 * bpc_a, 0)
        c = jnp.minimum(j // bpc_b, 1)
        return (c, jnp.clip(j - c * bpc_b, 0, bpc_b - 1), 0)

    return pl.pallas_call(
        _post_body,
        grid=(N // _RB,),
        in_specs=[
            pl.BlockSpec((1, _RB, D), amap),
            pl.BlockSpec((1, _RB, D), amap),
            pl.BlockSpec((1, _RB, D), bmap),
            pl.BlockSpec((1, _RB, H), amap),
            pl.BlockSpec((1, _RB, H), amap),
            pl.BlockSpec((1, _RB, H), bmap),
        ],
        out_specs=pl.BlockSpec((_RB, D), lambda i: (i, 0)),
        out_shape=jax.ShapeDtypeStruct((N, D), jnp.float32),
    )(na, nb1, nb2, sa, sb1, sb2)




@jax.jit
def _stage1(emb_rel, head_idxs, tail_idxs, bins, attn_proj_w, attn_proj_b,
            attn_bin, attn_vec, aggr_proj_w, aggr_proj_b):
    w1t = attn_proj_w[:, :D].T
    w2t = attn_proj_w[:, D:].T
    wat = aggr_proj_w.T
    b2 = attn_proj_b.reshape(1, D)
    ab2 = aggr_proj_b.reshape(1, D)
    a_tab, bm_tab = _tc_pre(emb_rel, w1t, w2t, wat, b2, ab2)
    avec = attn_vec.reshape(-1)
    abin = attn_bin.reshape(-1)
    return _sc_phase_a(a_tab, bm_tab, head_idxs, tail_idxs, bins, avec, abin)


@jax.jit
def _stage2(wmdef, wdef, head_idxs):
    return _sc_phase_b(wmdef, wdef, head_idxs, NR_A, HALF_A, True)


@jax.jit
def _stage2b(wmdef, wdef, head_idxs):
    return _sc_phase_b(wmdef, wdef, head_idxs, NR_B, HALF_B, False)


@jax.jit
def _stage3(num_a, s_a, num_b1, s_b1, num_b2, s_b2):
    sa = s_a.reshape(NC, HALF_A, H)
    sb1 = s_b1.reshape(NC, HALF_A, H)
    sb2 = s_b2.reshape(NC, HALF_B, H)
    return _tc_post(num_a, num_b1, num_b2, sa, sb1, sb2)


def kernel(emb_rel, head_idxs, tail_idxs, bins, attn_proj_w, attn_proj_b,
           attn_bin, attn_vec, aggr_proj_w, aggr_proj_b):
    num_a, s_a, wmdef, wdef = _stage1(emb_rel, head_idxs, tail_idxs, bins,
                                      attn_proj_w, attn_proj_b, attn_bin,
                                      attn_vec, aggr_proj_w, aggr_proj_b)
    num_b1, s_b1 = _stage2(wmdef, wdef, head_idxs)
    num_b2, s_b2 = _stage2b(wmdef, wdef, head_idxs)
    return _stage3(num_a, s_a, num_b1, s_b1, num_b2, s_b2)

# --- scband reference (transcript-rebuilt; emitter-appended) ---
"""Pipeline reference for scband-in-gram-relation-layer-64046552318128 (READ-ONLY COPY).

The authoritative reference and input builder live on the scoring server;
editing this copy changes nothing except your own understanding.
"""

import jax, jax.numpy as jnp
import numpy as np

N = 10000
E = 320000
D = 128
H = 8
DH = 16
NB = 10


def setup_inputs(seed: int = 0) -> dict:
    key = jax.random.key(seed)
    ks = jax.random.split(key, 10)
    emb_rel = jax.random.normal(ks[0], (N, D), dtype=jnp.float32)
    head_idxs = jax.random.randint(ks[1], (E,), 0, N, dtype=jnp.int32)
    tail_idxs = jax.random.randint(ks[2], (E,), 0, N, dtype=jnp.int32)
    bins = jax.random.randint(ks[3], (E,), 0, NB, dtype=jnp.int32)
    attn_proj_w = jax.random.normal(ks[4], (D, 2 * D), dtype=jnp.float32) * 0.05
    attn_proj_b = jnp.zeros((D,), dtype=jnp.float32)
    attn_bin = jax.random.normal(ks[5], (NB, H, 1), dtype=jnp.float32) * 0.05
    attn_vec = jax.random.normal(ks[6], (1, H, DH), dtype=jnp.float32) * 0.05
    aggr_proj_w = jax.random.normal(ks[7], (D, D), dtype=jnp.float32) * 0.05
    aggr_proj_b = jnp.zeros((D,), dtype=jnp.float32)
    return {
        'emb_rel': emb_rel,
        'head_idxs': head_idxs,
        'tail_idxs': tail_idxs,
        'bins': bins,
        'attn_proj_w': attn_proj_w,
        'attn_proj_b': attn_proj_b,
        'attn_bin': attn_bin,
        'attn_vec': attn_vec,
        'aggr_proj_w': aggr_proj_w,
        'aggr_proj_b': aggr_proj_b,
    }


def reference(emb_rel, head_idxs, tail_idxs, bins, attn_proj_w, attn_proj_b,
              attn_bin, attn_vec, aggr_proj_w, aggr_proj_b):
    # gather endpoint features and concat
    concat_mat = jnp.concatenate([emb_rel[head_idxs], emb_rel[tail_idxs]], axis=-1)  # [E, 2D]
    proj = concat_mat @ attn_proj_w.T + attn_proj_b  # [E, D]
    act = jax.nn.leaky_relu(proj, negative_slope=0.2).reshape(-1, H, DH)
    attn_val_raw = (act * attn_vec).sum(axis=-1, keepdims=True) + attn_bin[bins]  # [E, H, 1]
    # scatter-amax over head nodes (torch scatter_reduce amax include_self=False; empty -> 0)
    attn_val_max = jax.ops.segment_max(attn_val_raw, head_idxs, num_segments=N)  # [N, H, 1]
    attn_val_max = jnp.where(jnp.isneginf(attn_val_max), 0.0, attn_val_max)
    attn_val = jnp.exp(attn_val_raw - attn_val_max[head_idxs])
    attn_sums = jax.ops.segment_sum(attn_val, head_idxs, num_segments=N)  # [N, H, 1]
    beta = attn_val / (attn_sums[head_idxs] + 1e-16)
    msg = (emb_rel[tail_idxs] @ aggr_proj_w.T + aggr_proj_b).reshape(-1, H, DH)
    output = jax.ops.segment_sum(beta * msg, head_idxs, num_segments=N)  # [N, H, DH]
    return output.reshape(N, H * DH)

if __name__ == "__main__":
    import jax
    _d = setup_inputs()
    print(jax.jit(kernel)(*tuple(_d.values())))

</pallas_src>

<mosaic_0001>
#map = affine_map<(d0, d1) -> (0, 0)>
#map1 = affine_map<(d0, d1) -> (0)>
#map2 = affine_map<(d0, d1) -> (0, 0, 0)>
module attributes {stable_mosaic.version = 14 : i64} {
  func.func @_sca_body(%arg0: i32, %arg1: i32, %arg2: memref<10000x128xf32, #tpu.memory_space<hbm>>, %arg3: memref<10000x256xf32, #tpu.memory_space<hbm>>, %arg4: memref<320000xi32, #tpu.memory_space<hbm>>, %arg5: memref<320000xi32, #tpu.memory_space<hbm>>, %arg6: memref<320000xi32, #tpu.memory_space<hbm>>, %arg7: memref<128xf32, #tpu.memory_space<hbm>>, %arg8: memref<80xf32, #tpu.memory_space<hbm>>, %arg9: memref<2x4096x128xf32, #tpu.memory_space<hbm>>, %arg10: memref<2x256x128xf32, #tpu.memory_space<hbm>>, %arg11: memref<320000x128xf32, #tpu.memory_space<hbm>>, %arg12: memref<320000x16xf32, #tpu.memory_space<hbm>>, %arg13: memref<80xi32, #tpu.memory_space<vmem>>, %arg14: memref<80xi32, #tpu.memory_space<vmem>>, %arg15: memref<80xi32, #tpu.memory_space<vmem>>, %arg16: memref<80xi32, #tpu.memory_space<vmem>>, %arg17: memref<80xi32, #tpu.memory_space<vmem>>, %arg18: memref<80x128xf32, #tpu.memory_space<vmem>>, %arg19: memref<80x256xf32, #tpu.memory_space<vmem>>, %arg20: memref<80x128xf32, #tpu.memory_space<vmem>>, %arg21: memref<80x128xf32, #tpu.memory_space<vmem>>, %arg22: memref<80x16xf32, #tpu.memory_space<vmem>>, %arg23: memref<128xf32, #tpu.memory_space<vmem>>, %arg24: memref<80xf32, #tpu.memory_space<vmem>>, %arg25: memref<280x128xf32, #tpu.memory_space<vmem>>, %arg26: memref<4480x128xf32, #tpu.memory_space<vmem_shared>>, %arg27: memref<!tpu.dma_semaphore, #tpu.memory_space<semaphore_mem>>, %arg28: memref<!tpu.dma_semaphore, #tpu.memory_space<semaphore_mem>>) attributes {dimension_semantics = [#tpu.dimension_semantics<core_parallel>, #tpu.dimension_semantics<subcore_parallel>], iteration_bounds = array<i64: 2, 16>, scalar_prefetch = 0 : i64, scratch_operands = 16 : i64, tpu.core_type = #tpu.core_type<sc_vector_subcore>, window_params = [{transform_indices = #map}, {transform_indices = #map}, {transform_indices = #map1}, {transform_indices = #map1}, {transform_indices = #map1}, {transform_indices = #map1}, {transform_indices = #map1}, {transform_indices = #map2}, {transform_indices = #map2}, {transform_indices = #map}, {transform_indices = #map}]} {
    %mul3A = arith.constant 16 : i32
    %mul3A_0 = arith.muli %arg0, %mul3A : i32
    %add3A = arith.addi %mul3A_0, %arg1 : i32
    %mul3A_1 = arith.constant 4096 : i32
    %mul3A_2 = arith.muli %arg0, %mul3A_1 : i32
    "tpu.region"() ({
      %run_scoped3A = tpu.sem_alloc : memref<!tpu.dma_semaphore, #tpu.memory_space<semaphore_mem>>
      tpu.enqueue_dma source(%arg7 : memref<128xf32, #tpu.memory_space<hbm>>) target(%arg23 : memref<128xf32, #tpu.memory_space<vmem>>) target_semaphore(%run_scoped3A : memref<!tpu.dma_semaphore, #tpu.memory_space<semaphore_mem>>)
      tpu.wait_dma2 semaphore(%run_scoped3A : memref<!tpu.dma_semaphore, #tpu.memory_space<semaphore_mem>>) src(%arg7 : memref<128xf32, #tpu.memory_space<hbm>>) dst(%arg23 : memref<128xf32, #tpu.memory_space<vmem>>)
      tpu.yield
    }) : () -> ()
    "tpu.region"() ({
      %run_scoped3A = tpu.sem_alloc : memref<!tpu.dma_semaphore, #tpu.memory_space<semaphore_mem>>
      tpu.enqueue_dma source(%arg8 : memref<80xf32, #tpu.memory_space<hbm>>) target(%arg24 : memref<80xf32, #tpu.memory_space<vmem>>) target_semaphore(%run_scoped3A : memref<!tpu.dma_semaphore, #tpu.memory_space<semaphore_mem>>)
      tpu.wait_dma2 semaphore(%run_scoped3A : memref<!tpu.dma_semaphore, #tpu.memory_space<semaphore_mem>>) src(%arg8 : memref<80xf32, #tpu.memory_space<hbm>>) dst(%arg24 : memref<80xf32, #tpu.memory_space<vmem>>)
      tpu.yield
    }) : () -> ()
    %mul3A_3 = arith.constant 280 : i32
    %mul3A_4 = arith.muli %arg1, %mul3A_3 : i32
    %broadcast_in_dim3A = arith.constant 0.000000e+00 : f32
    %broadcast_in_dim3A_5 = vector.broadcast %broadcast_in_dim3A : f32 to vector<16xf32>
    %scan3A = arith.constant 0 : i32
    %scan3A_6 = arith.constant 280 : i32
    %scan3A_7 = arith.addi %scan3A, %scan3A_6 : i32
    %scan3A_8 = arith.constant 1 : i32
    scf.for %scan3A_24 = %scan3A to %scan3A_7 step %scan3A_8  : i32 {
      %mul3A_25 = arith.constant 1 : i32
      %mul3A_26 = arith.muli %scan3A_24, %mul3A_25 : i32
      %add3A_27 = arith.constant 0 : i32
      %add3A_28 = arith.addi %add3A_27, %mul3A_26 : i32
      %swap3A = arith.index_cast %add3A_28 : i32 to index
      %swap3A_29 = arith.constant 0 : index
      %swap3A_30 = tpu.vector_load %arg25[%swap3A, %swap3A_29] {strides = array<i32>} : memref<280x128xf32, #tpu.memory_space<vmem>>, vector<16xf32>,
      tpu.vector_store %arg25[%swap3A, %swap3A_29], %broadcast_in_dim3A_5 {strides = array<i32>} : memref<280x128xf32, #tpu.memory_space<vmem>>, vector<16xf32>,
      %swap3A_31 = arith.index_cast %add3A_28 : i32 to index
      %swap3A_32 = arith.constant 16 : index
      %swap3A_33 = tpu.vector_load %arg25[%swap3A_31, %swap3A_32] {strides = array<i32>} : memref<280x128xf32, #tpu.memory_space<vmem>>, vector<16xf32>,
      tpu.vector_store %arg25[%swap3A_31, %swap3A_32], %broadcast_in_dim3A_5 {strides = array<i32>} : memref<280x128xf32, #tpu.memory_space<vmem>>, vector<16xf32>,
      %swap3A_34 = arith.index_cast %add3A_28 : i32 to index
      %swap3A_35 = arith.constant 32 : index
      %swap3A_36 = tpu.vector_load %arg25[%swap3A_34, %swap3A_35] {strides = array<i32>} : memref<280x128xf32, #tpu.memory_space<vmem>>, vector<16xf32>,
      tpu.vector_store %arg25[%swap3A_34, %swap3A_35], %broadcast_in_dim3A_5 {strides = array<i32>} : memref<280x128xf32, #tpu.memory_space<vmem>>, vector<16xf32>,
      %swap3A_37 = arith.index_cast %add3A_28 : i32 to index
      %swap3A_38 = arith.constant 48 : index
      %swap3A_39 = tpu.vector_load %arg25[%swap3A_37, %swap3A_38] {strides = array<i32>} : memref<280x128xf32, #tpu.memory_space<vmem>>, vector<16xf32>,
      tpu.vector_store %arg25[%swap3A_37, %swap3A_38], %broadcast_in_dim3A_5 {strides = array<i32>} : memref<280x128xf32, #tpu.memory_space<vmem>>, vector<16xf32>,
      %swap3A_40 = arith.index_cast %add3A_28 : i32 to index
      %swap3A_41 = arith.constant 64 : index
      %swap3A_42 = tpu.vector_load %arg25[%swap3A_40, %swap3A_41] {strides = array<i32>} : memref<280x128xf32, #tpu.memory_space<vmem>>, vector<16xf32>,
      tpu.vector_store %arg25[%swap3A_40, %swap3A_41], %broadcast_in_dim3A_5 {strides = array<i32>} : memref<280x128xf32, #tpu.memory_space<vmem>>, vector<16xf32>,
      %swap3A_43 = arith.index_cast %add3A_28 : i32 to index
      %swap3A_44 = arith.constant 80 : index
      %swap3A_45 = tpu.vector_load %arg25[%swap3A_43, %swap3A_44] {strides = array<i32>} : memref<280x128xf32, #tpu.memory_space<vmem>>, vector<16xf32>,
      tpu.vector_store %arg25[%swap3A_43, %swap3A_44], %broadcast_in_dim3A_5 {strides = array<i32>} : memref<280x128xf32, #tpu.memory_space<vmem>>, vector<16xf32>,
      %swap3A_46 = arith.index_cast %add3A_28 : i32 to index
      %swap3A_47 = arith.constant 96 : index
      %swap3A_48 = tpu.vector_load %arg25[%swap3A_46, %swap3A_47] {strides = array<i32>} : memref<280x128xf32, #tpu.memory_space<vmem>>, vector<16xf32>,
      tpu.vector_store %arg25[%swap3A_46, %swap3A_47], %broadcast_in_dim3A_5 {strides = array<i32>} : memref<280x128xf32, #tpu.memory_space<vmem>>, vector<16xf32>,
      %swap3A_49 = arith.index_cast %add3A_28 : i32 to index
      %swap3A_50 = arith.constant 112 : index
      %swap3A_51 = tpu.vector_load %arg25[%swap3A_49, %swap3A_50] {strides = array<i32>} : memref<280x128xf32, #tpu.memory_space<vmem>>, vector<16xf32>,
      tpu.vector_store %arg25[%swap3A_49, %swap3A_50], %broadcast_in_dim3A_5 {strides = array<i32>} : memref<280x128xf32, #tpu.memory_space<vmem>>, vector<16xf32>,
    }
    %scan3A_9 = arith.constant 280 : i32
    "tpu.region"() ({
      %run_scoped3A = tpu.sem_alloc : memref<!tpu.dma_semaphore, #tpu.memory_space<semaphore_mem>>
      %dma_start3A = arith.constant 0 : i32
      %dma_start3A_24 = tpu.memref_slice %arg26[%mul3A_4, %dma_start3A] : memref<4480x128xf32, #tpu.memory_space<vmem_shared>> -> memref<280x128xf32, #tpu.memory_space<vmem_shared>>
      %dma_start3A_25 = arith.constant 0 : i32
      %dma_start3A_26 = tpu.memref_slice %arg26[%mul3A_4, %dma_start3A_25] : memref<4480x128xf32, #tpu.memory_space<vmem_shared>> -> memref<280x128xf32, #tpu.memory_space<vmem_shared>>
      tpu.enqueue_dma source(%arg25 : memref<280x128xf32, #tpu.memory_space<vmem>>) target(%dma_start3A_26 : memref<280x128xf32, #tpu.memory_space<vmem_shared>>) target_semaphore(%run_scoped3A : memref<!tpu.dma_semaphore, #tpu.memory_space<semaphore_mem>>)
      %dma_wait3A = arith.constant 0 : i32
      %dma_wait3A_27 = tpu.memref_slice %arg26[%mul3A_4, %dma_wait3A] : memref<4480x128xf32, #tpu.memory_space<vmem_shared>> -> memref<280x128xf32, #tpu.memory_space<vmem_shared>>
      %dma_wait3A_28 = arith.constant 0 : i32
      %dma_wait3A_29 = tpu.memref_slice %arg26[%mul3A_4, %dma_wait3A_28] : memref<4480x128xf32, #tpu.memory_space<vmem_shared>> -> memref<280x128xf32, #tpu.memory_space<vmem_shared>>
      tpu.wait_dma2 semaphore(%run_scoped3A : memref<!tpu.dma_semaphore, #tpu.memory_space<semaphore_mem>>) src(%arg25 : memref<280x128xf32, #tpu.memory_space<vmem>>) dst(%dma_wait3A_29 : memref<280x128xf32, #tpu.memory_space<vmem_shared>>)
      tpu.yield
    }) : () -> ()
    %barrier3A = arith.constant 0 : index
    tpu.barrier barrier_id(%barrier3A)
    %broadcast_in_dim3A_10 = arith.constant 0.000000e+00 : f32
    %broadcast_in_dim3A_11 = vector.broadcast %broadcast_in_dim3A_10 : f32 to vector<16xf32>
    %mul3A_12 = arith.constant 10000 : i32
    %mul3A_13 = arith.muli %add3A, %mul3A_12 : i32
    %scan3A_14 = arith.constant 0 : i32
    %scan3A_15 = arith.constant 125 : i32
    %scan3A_16 = arith.addi %scan3A_14, %scan3A_15 : i32
    %scan3A_17 = arith.constant 1 : i32
    scf.for %scan3A_24 = %scan3A_14 to %scan3A_16 step %scan3A_17  : i32 {
      %mul3A_25 = arith.constant 1 : i32
      %mul3A_26 = arith.muli %scan3A_24, %mul3A_25 : i32
      %add3A_27 = arith.constant 0 : i32
      %add3A_28 = arith.addi %add3A_27, %mul3A_26 : i32
      %mul3A_29 = arith.constant 80 : i32
      %mul3A_30 = arith.muli %add3A_28, %mul3A_29 : i32
      %add3A_31 = arith.addi %mul3A_13, %mul3A_30 : i32
      %dma_start3A = tpu.memref_slice %arg4[%add3A_31] : memref<320000xi32, #tpu.memory_space<hbm>> -> memref<80xi32, #tpu.memory_space<hbm>>
      %dma_start3A_32 = tpu.memref_slice %arg4[%add3A_31] : memref<320000xi32, #tpu.memory_space<hbm>> -> memref<80xi32, #tpu.memory_space<hbm>>
      tpu.enqueue_dma source(%dma_start3A_32 : memref<80xi32, #tpu.memory_space<hbm>>) target(%arg13 : memref<80xi32, #tpu.memory_space<vmem>>) target_semaphore(%arg27 : memref<!tpu.dma_semaphore, #tpu.memory_space<semaphore_mem>>)
      %dma_start3A_33 = tpu.memref_slice %arg5[%add3A_31] : memref<320000xi32, #tpu.memory_space<hbm>> -> memref<80xi32, #tpu.memory_space<hbm>>
      %dma_start3A_34 = tpu.memref_slice %arg5[%add3A_31] : memref<320000xi32, #tpu.memory_space<hbm>> -> memref<80xi32, #tpu.memory_space<hbm>>
      tpu.enqueue_dma source(%dma_start3A_34 : memref<80xi32, #tpu.memory_space<hbm>>) target(%arg14 : memref<80xi32, #tpu.memory_space<vmem>>) target_semaphore(%arg27 : memref<!tpu.dma_semaphore, #tpu.memory_space<semaphore_mem>>)
      %dma_start3A_35 = tpu.memref_slice %arg6[%add3A_31] : memref<320000xi32, #tpu.memory_space<hbm>> -> memref<80xi32, #tpu.memory_space<hbm>>
      %dma_start3A_36 = tpu.memref_slice %arg6[%add3A_31] : memref<320000xi32, #tpu.memory_space<hbm>> -> memref<80xi32, #tpu.memory_space<hbm>>
      tpu.enqueue_dma source(%dma_start3A_36 : memref<80xi32, #tpu.memory_space<hbm>>) target(%arg15 : memref<80xi32, #tpu.memory_space<vmem>>) target_semaphore(%arg27 : memref<!tpu.dma_semaphore, #tpu.memory_space<semaphore_mem>>)
      %dma_wait3A = tpu.memref_slice %arg4[%add3A_31] : memref<320000xi32, #tpu.memory_space<hbm>> -> memref<80xi32, #tpu.memory_space<hbm>>
      %dma_wait3A_37 = tpu.memref_slice %arg4[%add3A_31] : memref<320000xi32, #tpu.memory_space<hbm>> -> memref<80xi32, #tpu.memory_space<hbm>>
      tpu.wait_dma2 semaphore(%arg27 : memref<!tpu.dma_semaphore, #tpu.memory_space<semaphore_mem>>) src(%dma_wait3A_37 : memref<80xi32, #tpu.memory_space<hbm>>) dst(%arg13 : memref<80xi32, #tpu.memory_space<vmem>>)
      %dma_wait3A_38 = tpu.memref_slice %arg5[%add3A_31] : memref<320000xi32, #tpu.memory_space<hbm>> -> memref<80xi32, #tpu.memory_space<hbm>>
      %dma_wait3A_39 = tpu.memref_slice %arg5[%add3A_31] : memref<320000xi32, #tpu.memory_space<hbm>> -> memref<80xi32, #tpu.memory_space<hbm>>
      tpu.wait_dma2 semaphore(%arg27 : memref<!tpu.dma_semaphore, #tpu.memory_space<semaphore_mem>>) src(%dma_wait3A_39 : memref<80xi32, #tpu.memory_space<hbm>>) dst(%arg14 : memref<80xi32, #tpu.memory_space<vmem>>)
      %dma_wait3A_40 = tpu.memref_slice %arg6[%add3A_31] : memref<320000xi32, #tpu.memory_space<hbm>> -> memref<80xi32, #tpu.memory_space<hbm>>
      %dma_wait3A_41 = tpu.memref_slice %arg6[%add3A_31] : memref<320000xi32, #tpu.memory_space<hbm>> -> memref<80xi32, #tpu.memory_space<hbm>>
      tpu.wait_dma2 semaphore(%arg27 : memref<!tpu.dma_semaphore, #tpu.memory_space<semaphore_mem>>) src(%dma_wait3A_41 : memref<80xi32, #tpu.memory_space<hbm>>) dst(%arg15 : memref<80xi32, #tpu.memory_space<vmem>>)
      %dma_start3A_42 = arith.constant 0 : i32
      %dma_start3A_43 = arith.constant 0 : i32
      %dma_start3A_44 = tpu.memref_slice %arg2[%dma_start3A_42, %dma_start3A_43] : memref<10000x128xf32, #tpu.memory_space<hbm>> -> memref<10000x128xf32, #tpu.memory_space<hbm>>
      tpu.enqueue_indirect_dma source(%dma_start3A_44 : memref<10000x128xf32, #tpu.memory_space<hbm>>) target(%arg18 : memref<80x128xf32, #tpu.memory_space<vmem>>) offsets(%arg13 : memref<80xi32, #tpu.memory_space<vmem>>) semaphore(%arg27 : memref<!tpu.dma_semaphore, #tpu.memory_space<semaphore_mem>>)
      %dma_start3A_45 = arith.constant 0 : i32
      %dma_start3A_46 = arith.constant 0 : i32
      %dma_start3A_47 = tpu.memref_slice %arg3[%dma_start3A_45, %dma_start3A_46] : memref<10000x256xf32, #tpu.memory_space<hbm>> -> memref<10000x256xf32, #tpu.memory_space<hbm>>
      tpu.enqueue_indirect_dma source(%dma_start3A_47 : memref<10000x256xf32, #tpu.memory_space<hbm>>) target(%arg19 : memref<80x256xf32, #tpu.memory_space<vmem>>) offsets(%arg14 : memref<80xi32, #tpu.memory_space<vmem>>) semaphore(%arg28 : memref<!tpu.dma_semaphore, #tpu.memory_space<semaphore_mem>>)
      %scan3A_48 = arith.constant 0 : i32
      %scan3A_49 = arith.constant 5 : i32
      %scan3A_50 = arith.addi %scan3A_48, %scan3A_49 : i32
      %scan3A_51 = arith.constant 1 : i32
      scf.for %scan3A_90 = %scan3A_48 to %scan3A_50 step %scan3A_51  : i32 {
        %mul3A_91 = arith.constant 1 : i32
        %mul3A_92 = arith.muli %scan3A_90, %mul3A_91 : i32
        %add3A_93 = arith.constant 0 : i32
        %add3A_94 = arith.addi %add3A_93, %mul3A_92 : i32
        %mul3A_95 = arith.constant 16 : i32
        %mul3A_96 = arith.muli %add3A_94, %mul3A_95 : i32
        %get3A = arith.index_cast %mul3A_96 : i32 to index
        %get3A_97 = tpu.vector_load %arg13[%get3A] {strides = array<i32>} : memref<80xi32, #tpu.memory_space<vmem>>, vector<16xi32>,
        %sub3A = vector.broadcast %mul3A_2 : i32 to vector<16xi32>
        %sub3A_98 = arith.subi %get3A_97, %sub3A : vector<16xi32>
        %ge3A = arith.constant 0 : i32
        %ge3A_99 = vector.broadcast %ge3A : i32 to vector<16xi32>
        %ge3A_100 = arith.cmpi sge, %sub3A_98, %ge3A_99 : vector<16xi32>
        %lt3A_101 = arith.constant 4096 : i32
        %lt3A_102 = vector.broadcast %lt3A_101 : i32 to vector<16xi32>
        %lt3A_103 = arith.cmpi slt, %sub3A_98, %lt3A_102 : vector<16xi32>
        %and3A = arith.andi %ge3A_100, %lt3A_103 : vector<16xi1>
        %jit3A = arith.constant 4352 : i32
        %broadcast_in_dim3A_104 = vector.broadcast %jit3A : i32 to vector<16xi32>
        %select_n3A = arith.select %and3A, %sub3A_98, %broadcast_in_dim3A_104 : vector<16xi1>, vector<16xi32>
        %swap3A = arith.index_cast %mul3A_96 : i32 to index
        %swap3A_105 = tpu.vector_load %arg16[%swap3A] {strides = array<i32>} : memref<80xi32, #tpu.memory_space<vmem>>, vector<16xi32>,
        tpu.vector_store %arg16[%swap3A], %select_n3A {strides = array<i32>} : memref<80xi32, #tpu.memory_space<vmem>>, vector<16xi32>,
        %shift_right_logical3A = arith.constant 4 : i32
        %shift_right_logical3A_106 = vector.broadcast %shift_right_logical3A : i32 to vector<16xi32>
        %shift_right_logical3A_107 = arith.shrui %sub3A_98, %shift_right_logical3A_106 : vector<16xi32>
        %add3A_108 = arith.constant 4096 : i32
        %add3A_109 = vector.broadcast %add3A_108 : i32 to vector<16xi32>
        %add3A_110 = arith.addi %add3A_109, %shift_right_logical3A_107 : vector<16xi32>
        %jit3A_111 = arith.constant 4352 : i32
        %broadcast_in_dim3A_112 = vector.broadcast %jit3A_111 : i32 to vector<16xi32>
        %select_n3A_113 = arith.select %and3A, %add3A_110, %broadcast_in_dim3A_112 : vector<16xi1>, vector<16xi32>
        %swap3A_114 = arith.index_cast %mul3A_96 : i32 to index
        %swap3A_115 = tpu.vector_load %arg17[%swap3A_114] {strides = array<i32>} : memref<80xi32, #tpu.memory_space<vmem>>, vector<16xi32>,
        tpu.vector_store %arg17[%swap3A_114], %select_n3A_113 {strides = array<i32>} : memref<80xi32, #tpu.memory_space<vmem>>, vector<16xi32>,
      }
      %scan3A_52 = arith.constant 5 : i32
      %dma_wait3A_53 = arith.constant 0 : i32
      %dma_wait3A_54 = arith.constant 0 : i32
      %dma_wait3A_55 = tpu.memref_slice %arg2[%dma_wait3A_53, %dma_wait3A_54] : memref<10000x128xf32, #tpu.memory_space<hbm>> -> memref<10000x128xf32, #tpu.memory_space<hbm>>
      tpu.wait_indirect_dma semaphore(%arg27 : memref<!tpu.dma_semaphore, #tpu.memory_space<semaphore_mem>>) src(%dma_wait3A_55 : memref<10000x128xf32, #tpu.memory_space<hbm>>) dst(%arg18 : memref<80x128xf32, #tpu.memory_space<vmem>>)
      %dma_wait3A_56 = arith.constant 0 : i32
      %dma_wait3A_57 = arith.constant 0 : i32
      %dma_wait3A_58 = tpu.memref_slice %arg3[%dma_wait3A_56, %dma_wait3A_57] : memref<10000x256xf32, #tpu.memory_space<hbm>> -> memref<10000x256xf32, #tpu.memory_space<hbm>>
      tpu.wait_indirect_dma semaphore(%arg28 : memref<!tpu.dma_semaphore, #tpu.memory_space<semaphore_mem>>) src(%dma_wait3A_58 : memref<10000x256xf32, #tpu.memory_space<hbm>>) dst(%arg19 : memref<80x256xf32, #tpu.memory_space<vmem>>)
      %scan3A_59 = arith.constant 0 : i32
      %scan3A_60 = arith.constant 80 : i32
      %scan3A_61 = arith.addi %scan3A_59, %scan3A_60 : i32
      %scan3A_62 = arith.constant 1 : i32
      scf.for %scan3A_90 = %scan3A_59 to %scan3A_61 step %scan3A_62  : i32 {
        %mul3A_91 = arith.constant 1 : i32
        %mul3A_92 = arith.muli %scan3A_90, %mul3A_91 : i32
        %add3A_93 = arith.constant 0 : i32
        %add3A_94 = arith.addi %add3A_93, %mul3A_92 : i32
        %get3A = arith.index_cast %add3A_94 : i32 to index
        %get3A_95 = arith.constant 0 : index
        %get3A_96 = tpu.vector_load %arg18[%get3A, %get3A_95] {strides = array<i32>} : memref<80x128xf32, #tpu.memory_space<vmem>>, vector<16xf32>,
        %get3A_97 = arith.index_cast %add3A_94 : i32 to index
        %get3A_98 = arith.constant 0 : index
        %get3A_99 = tpu.vector_load %arg19[%get3A_97, %get3A_98] {strides = array<i32>} : memref<80x256xf32, #tpu.memory_space<vmem>>, vector<16xf32>,
        %add3A_100 = arith.addf %get3A_96, %get3A_99 : vector<16xf32>
        %mul3A_101 = arith.constant 2.000000e-01 : f32
        %mul3A_102 = vector.broadcast %mul3A_101 : f32 to vector<16xf32>
        %mul3A_103 = arith.mulf %add3A_100, %mul3A_102 : vector<16xf32>
        %max3A = arith.maximumf %add3A_100, %mul3A_103 : vector<16xf32>
        %get3A_104 = arith.constant 0 : index
        %get3A_105 = tpu.vector_load %arg23[%get3A_104] {strides = array<i32>} : memref<128xf32, #tpu.memory_space<vmem>>, vector<16xf32>,
        %mul3A_106 = arith.mulf %max3A, %get3A_105 : vector<16xf32>
        %broadcast_in_dim3A_107 = arith.constant true
        %broadcast_in_dim3A_108 = vector.broadcast %broadcast_in_dim3A_107 : i1 to vector<16xi1>
        %masked_cumsum3A = tpu.scan <sum>, %mul3A_106 masked %broadcast_in_dim3A_108 : vector<16xf32>, vector<16xi1> -> vector<16xf32>
        %swap3A = arith.index_cast %add3A_94 : i32 to index
        %swap3A_109 = arith.constant 0 : index
        %swap3A_110 = tpu.vector_load %arg18[%swap3A, %swap3A_109] {strides = array<i32>} : memref<80x128xf32, #tpu.memory_space<vmem>>, vector<16xf32>,
        tpu.vector_store %arg18[%swap3A, %swap3A_109], %masked_cumsum3A {strides = array<i32>} : memref<80x128xf32, #tpu.memory_space<vmem>>, vector<16xf32>,
        %swap3A_111 = arith.index_cast %add3A_94 : i32 to index
        %swap3A_112 = arith.constant 0 : index
        %swap3A_113 = tpu.vector_load %arg21[%swap3A_111, %swap3A_112] {strides = array<i32>} : memref<80x128xf32, #tpu.memory_space<vmem>>, vector<16xf32>,
        tpu.vector_store %arg21[%swap3A_111, %swap3A_112], %broadcast_in_dim3A_11 {strides = array<i32>} : memref<80x128xf32, #tpu.memory_space<vmem>>, vector<16xf32>,
        %get3A_114 = arith.index_cast %add3A_94 : i32 to index
        %get3A_115 = arith.constant 16 : index
        %get3A_116 = tpu.vector_load %arg18[%get3A_114, %get3A_115] {strides = array<i32>} : memref<80x128xf32, #tpu.memory_space<vmem>>, vector<16xf32>,
        %get3A_117 = arith.index_cast %add3A_94 : i32 to index
        %get3A_118 = arith.constant 16 : index
        %get3A_119 = tpu.vector_load %arg19[%get3A_117, %get3A_118] {strides = array<i32>} : memref<80x256xf32, #tpu.memory_space<vmem>>, vector<16xf32>,
        %add3A_120 = arith.addf %get3A_116, %get3A_119 : vector<16xf32>
        %mul3A_121 = arith.constant 2.000000e-01 : f32
        %mul3A_122 = vector.broadcast %mul3A_121 : f32 to vector<16xf32>
        %mul3A_123 = arith.mulf %add3A_120, %mul3A_122 : vector<16xf32>
        %max3A_124 = arith.maximumf %add3A_120, %mul3A_123 : vector<16xf32>
        %get3A_125 = arith.constant 16 : index
        %get3A_126 = tpu.vector_load %arg23[%get3A_125] {strides = array<i32>} : memref<128xf32, #tpu.memory_space<vmem>>, vector<16xf32>,
        %mul3A_127 = arith.mulf %max3A_124, %get3A_126 : vector<16xf32>
        %broadcast_in_dim3A_128 = arith.constant true
        %broadcast_in_dim3A_129 = vector.broadcast %broadcast_in_dim3A_128 : i1 to vector<16xi1>
        %masked_cumsum3A_130 = tpu.scan <sum>, %mul3A_127 masked %broadcast_in_dim3A_129 : vector<16xf32>, vector<16xi1> -> vector<16xf32>
        %swap3A_131 = arith.index_cast %add3A_94 : i32 to index
        %swap3A_132 = arith.constant 16 : index
        %swap3A_133 = tpu.vector_load %arg18[%swap3A_131, %swap3A_132] {strides = array<i32>} : memref<80x128xf32, #tpu.memory_space<vmem>>, vector<16xf32>,
        tpu.vector_store %arg18[%swap3A_131, %swap3A_132], %masked_cumsum3A_130 {strides = array<i32>} : memref<80x128xf32, #tpu.memory_space<vmem>>, vector<16xf32>,
        %swap3A_134 = arith.index_cast %add3A_94 : i32 to index
        %swap3A_135 = arith.constant 16 : index
        %swap3A_136 = tpu.vector_load %arg21[%swap3A_134, %swap3A_135] {strides = array<i32>} : memref<80x128xf32, #tpu.memory_space<vmem>>, vector<16xf32>,
        tpu.vector_store %arg21[%swap3A_134, %swap3A_135], %broadcast_in_dim3A_11 {strides = array<i32>} : memref<80x128xf32, #tpu.memory_space<vmem>>, vector<16xf32>,
        %get3A_137 = arith.index_cast %add3A_94 : i32 to index
        %get3A_138 = arith.constant 32 : index
        %get3A_139 = tpu.vector_load %arg18[%get3A_137, %get3A_138] {strides = array<i32>} : memref<80x128xf32, #tpu.memory_space<vmem>>, vector<16xf32>,
        %get3A_140 = arith.index_cast %add3A_94 : i32 to index
        %get3A_141 = arith.constant 32 : index
        %get3A_142 = tpu.vector_load %arg19[%get3A_140, %get3A_141] {strides = array<i32>} : memref<80x256xf32, #tpu.memory_space<vmem>>, vector<16xf32>,
        %add3A_143 = arith.addf %get3A_139, %get3A_142 : vector<16xf32>
        %mul3A_144 = arith.constant 2.000000e-01 : f32
        %mul3A_145 = vector.broadcast %mul3A_144 : f32 to vector<16xf32>
        %mul3A_146 = arith.mulf %add3A_143, %mul3A_145 : vector<16xf32>
        %max3A_147 = arith.maximumf %add3A_143, %mul3A_146 : vector<16xf32>
        %get3A_148 = arith.constant 32 : index
        %get3A_149 = tpu.vector_load %arg23[%get3A_148] {strides = array<i32>} : memref<128xf32, #tpu.memory_space<vmem>>, vector<16xf32>,
        %mul3A_150 = arith.mulf %max3A_147, %get3A_149 : vector<16xf32>
        %broadcast_in_dim3A_151 = arith.constant true
        %broadcast_in_dim3A_152 = vector.broadcast %broadcast_in_dim3A_151 : i1 to vector<16xi1>
        %masked_cumsum3A_153 = tpu.scan <sum>, %mul3A_150 masked %broadcast_in_dim3A_152 : vector<16xf32>, vector<16xi1> -> vector<16xf32>
        %swap3A_154 = arith.index_cast %add3A_94 : i32 to index
        %swap3A_155 = arith.constant 32 : index
        %swap3A_156 = tpu.vector_load %arg18[%swap3A_154, %swap3A_155] {strides = array<i32>} : memref<80x128xf32, #tpu.memory_space<vmem>>, vector<16xf32>,
        tpu.vector_store %arg18[%swap3A_154, %swap3A_155], %masked_cumsum3A_153 {strides = array<i32>} : memref<80x128xf32, #tpu.memory_space<vmem>>, vector<16xf32>,
        %swap3A_157 = arith.index_cast %add3A_94 : i32 to index
        %swap3A_158 = arith.constant 32 : index
        %swap3A_159 = tpu.vector_load %arg21[%swap3A_157, %swap3A_158] {strides = array<i32>} : memref<80x128xf32, #tpu.memory_space<vmem>>, vector<16xf32>,
        tpu.vector_store %arg21[%swap3A_157, %swap3A_158], %broadcast_in_dim3A_11 {strides = array<i32>} : memref<80x128xf32, #tpu.memory_space<vmem>>, vector<16xf32>,
        %get3A_160 = arith.index_cast %add3A_94 : i32 to index
        %get3A_161 = arith.constant 48 : index
        %get3A_162 = tpu.vector_load %arg18[%get3A_160, %get3A_161] {strides = array<i32>} : memref<80x128xf32, #tpu.memory_space<vmem>>, vector<16xf32>,
        %get3A_163 = arith.index_cast %add3A_94 : i32 to index
        %get3A_164 = arith.constant 48 : index
        %get3A_165 = tpu.vector_load %arg19[%get3A_163, %get3A_164] {strides = array<i32>} : memref<80x256xf32, #tpu.memory_space<vmem>>, vector<16xf32>,
        %add3A_166 = arith.addf %get3A_162, %get3A_165 : vector<16xf32>
        %mul3A_167 = arith.constant 2.000000e-01 : f32
        %mul3A_168 = vector.broadcast %mul3A_167 : f32 to vector<16xf32>
        %mul3A_169 = arith.mulf %add3A_166, %mul3A_168 : vector<16xf32>
        %max3A_170 = arith.maximumf %add3A_166, %mul3A_169 : vector<16xf32>
        %get3A_171 = arith.constant 48 : index
        %get3A_172 = tpu.vector_load %arg23[%get3A_171] {strides = array<i32>} : memref<128xf32, #tpu.memory_space<vmem>>, vector<16xf32>,
        %mul3A_173 = arith.mulf %max3A_170, %get3A_172 : vector<16xf32>
        %broadcast_in_dim3A_174 = arith.constant true
        %broadcast_in_dim3A_175 = vector.broadcast %broadcast_in_dim3A_174 : i1 to vector<16xi1>
        %masked_cumsum3A_176 = tpu.scan <sum>, %mul3A_173 masked %broadcast_in_dim3A_175 : vector<16xf32>, vector<16xi1> -> vector<16xf32>
        %swap3A_177 = arith.index_cast %add3A_94 : i32 to index
        %swap3A_178 = arith.constant 48 : index
        %swap3A_179 = tpu.vector_load %arg18[%swap3A_177, %swap3A_178] {strides = array<i32>} : memref<80x128xf32, #tpu.memory_space<vmem>>, vector<16xf32>,
        tpu.vector_store %arg18[%swap3A_177, %swap3A_178], %masked_cumsum3A_176 {strides = array<i32>} : memref<80x128xf32, #tpu.memory_space<vmem>>, vector<16xf32>,
        %swap3A_180 = arith.index_cast %add3A_94 : i32 to index
        %swap3A_181 = arith.constant 48 : index
        %swap3A_182 = tpu.vector_load %arg21[%swap3A_180, %swap3A_181] {strides = array<i32>} : memref<80x128xf32, #tpu.memory_space<vmem>>, vector<16xf32>,
        tpu.vector_store %arg21[%swap3A_180, %swap3A_181], %broadcast_in_dim3A_11 {strides = array<i32>} : memref<80x128xf32, #tpu.memory_space<vmem>>, vector<16xf32>,
        %get3A_183 = arith.index_cast %add3A_94 : i32 to index
        %get3A_184 = arith.constant 64 : index
        %get3A_185 = tpu.vector_load %arg18[%get3A_183, %get3A_184] {strides = array<i32>} : memref<80x128xf32, #tpu.memory_space<vmem>>, vector<16xf32>,
        %get3A_186 = arith.index_cast %add3A_94 : i32 to index
        %get3A_187 = arith.constant 64 : index
        %get3A_188 = tpu.vector_load %arg19[%get3A_186, %get3A_187] {strides = array<i32>} : memref<80x256xf32, #tpu.memory_space<vmem>>, vector<16xf32>,
        %add3A_189 = arith.addf %get3A_185, %get3A_188 : vector<16xf32>
        %mul3A_190 = arith.constant 2.000000e-01 : f32
        %mul3A_191 = vector.broadcast %mul3A_190 : f32 to vector<16xf32>
        %mul3A_192 = arith.mulf %add3A_189, %mul3A_191 : vector<16xf32>
        %max3A_193 = arith.maximumf %add3A_189, %mul3A_192 : vector<16xf32>
        %get3A_194 = arith.constant 64 : index
        %get3A_195 = tpu.vector_load %arg23[%get3A_194] {strides = array<i32>} : memref<128xf32, #tpu.memory_space<vmem>>, vector<16xf32>,
        %mul3A_196 = arith.mulf %max3A_193, %get3A_195 : vector<16xf32>
        %broadcast_in_dim3A_197 = arith.constant true
        %broadcast_in_dim3A_198 = vector.broadcast %broadcast_in_dim3A_197 : i1 to vector<16xi1>
        %masked_cumsum3A_199 = tpu.scan <sum>, %mul3A_196 masked %broadcast_in_dim3A_198 : vector<16xf32>, vector<16xi1> -> vector<16xf32>
        %swap3A_200 = arith.index_cast %add3A_94 : i32 to index
        %swap3A_201 = arith.constant 64 : index
        %swap3A_202 = tpu.vector_load %arg18[%swap3A_200, %swap3A_201] {strides = array<i32>} : memref<80x128xf32, #tpu.memory_space<vmem>>, vector<16xf32>,
        tpu.vector_store %arg18[%swap3A_200, %swap3A_201], %masked_cumsum3A_199 {strides = array<i32>} : memref<80x128xf32, #tpu.memory_space<vmem>>, vector<16xf32>,
        %swap3A_203 = arith.index_cast %add3A_94 : i32 to index
        %swap3A_204 = arith.constant 64 : index
        %swap3A_205 = tpu.vector_load %arg21[%swap3A_203, %swap3A_204] {strides = array<i32>} : memref<80x128xf32, #tpu.memory_space<vmem>>, vector<16xf32>,
        tpu.vector_store %arg21[%swap3A_203, %swap3A_204], %broadcast_in_dim3A_11 {strides = array<i32>} : memref<80x128xf32, #tpu.memory_space<vmem>>, vector<16xf32>,
        %get3A_206 = arith.index_cast %add3A_94 : i32 to index
        %get3A_207 = arith.constant 80 : index
        %get3A_208 = tpu.vector_load %arg18[%get3A_206, %get3A_207] {strides = array<i32>} : memref<80x128xf32, #tpu.memory_space<vmem>>, vector<16xf32>,
        %get3A_209 = arith.index_cast %add3A_94 : i32 to index
        %get3A_210 = arith.constant 80 : index
        %get3A_211 = tpu.vector_load %arg19[%get3A_209, %get3A_210] {strides = array<i32>} : memref<80x256xf32, #tpu.memory_space<vmem>>, vector<16xf32>,
        %add3A_212 = arith.addf %get3A_208, %get3A_211 : vector<16xf32>
        %mul3A_213 = arith.constant 2.000000e-01 : f32
        %mul3A_214 = vector.broadcast %mul3A_213 : f32 to vector<16xf32>
        %mul3A_215 = arith.mulf %add3A_212, %mul3A_214 : vector<16xf32>
        %max3A_216 = arith.maximumf %add3A_212, %mul3A_215 : vector<16xf32>
        %get3A_217 = arith.constant 80 : index
        %get3A_218 = tpu.vector_load %arg23[%get3A_217] {strides = array<i32>} : memref<128xf32, #tpu.memory_space<vmem>>, vector<16xf32>,
        %mul3A_219 = arith.mulf %max3A_216, %get3A_218 : vector<16xf32>
        %broadcast_in_dim3A_220 = arith.constant true
        %broadcast_in_dim3A_221 = vector.broadcast %broadcast_in_dim3A_220 : i1 to vector<16xi1>
        %masked_cumsum3A_222 = tpu.scan <sum>, %mul3A_219 masked %broadcast_in_dim3A_221 : vector<16xf32>, vector<16xi1> -> vector<16xf32>
        %swap3A_223 = arith.index_cast %add3A_94 : i32 to index
        %swap3A_224 = arith.constant 80 : index
        %swap3A_225 = tpu.vector_load %arg18[%swap3A_223, %swap3A_224] {strides = array<i32>} : memref<80x128xf32, #tpu.memory_space<vmem>>, vector<16xf32>,
        tpu.vector_store %arg18[%swap3A_223, %swap3A_224], %masked_cumsum3A_222 {strides = array<i32>} : memref<80x128xf32, #tpu.memory_space<vmem>>, vector<16xf32>,
        %swap3A_226 = arith.index_cast %add3A_94 : i32 to index
        %swap3A_227 = arith.constant 80 : index
        %swap3A_228 = tpu.vector_load %arg21[%swap3A_226, %swap3A_227] {strides = array<i32>} : memref<80x128xf32, #tpu.memory_space<vmem>>, vector<16xf32>,
        tpu.vector_store %arg21[%swap3A_226, %swap3A_227], %broadcast_in_dim3A_11 {strides = array<i32>} : memref<80x128xf32, #tpu.memory_space<vmem>>, vector<16xf32>,
        %get3A_229 = arith.index_cast %add3A_94 : i32 to index
        %get3A_230 = arith.constant 96 : index
        %get3A_231 = tpu.vector_load %arg18[%get3A_229, %get3A_230] {strides = array<i32>} : memref<80x128xf32, #tpu.memory_space<vmem>>, vector<16xf32>,
        %get3A_232 = arith.index_cast %add3A_94 : i32 to index
        %get3A_233 = arith.constant 96 : index
        %get3A_234 = tpu.vector_load %arg19[%get3A_232, %get3A_233] {strides = array<i32>} : memref<80x256xf32, #tpu.memory_space<vmem>>, vector<16xf32>,
        %add3A_235 = arith.addf %get3A_231, %get3A_234 : vector<16xf32>
        %mul3A_236 = arith.constant 2.000000e-01 : f32
        %mul3A_237 = vector.broadcast %mul3A_236 : f32 to vector<16xf32>
        %mul3A_238 = arith.mulf %add3A_235, %mul3A_237 : vector<16xf32>
        %max3A_239 = arith.maximumf %add3A_235, %mul3A_238 : vector<16xf32>
        %get3A_240 = arith.constant 96 : index
        %get3A_241 = tpu.vector_load %arg23[%get3A_240] {strides = array<i32>} : memref<128xf32, #tpu.memory_space<vmem>>, vector<16xf32>,
        %mul3A_242 = arith.mulf %max3A_239, %get3A_241 : vector<16xf32>
        %broadcast_in_dim3A_243 = arith.constant true
        %broadcast_in_dim3A_244 = vector.broadcast %broadcast_in_dim3A_243 : i1 to vector<16xi1>
        %masked_cumsum3A_245 = tpu.scan <sum>, %mul3A_242 masked %broadcast_in_dim3A_244 : vector<16xf32>, vector<16xi1> -> vector<16xf32>
        %swap3A_246 = arith.index_cast %add3A_94 : i32 to index
        %swap3A_247 = arith.constant 96 : index
        %swap3A_248 = tpu.vector_load %arg18[%swap3A_246, %swap3A_247] {strides = array<i32>} : memref<80x128xf32, #tpu.memory_space<vmem>>, vector<16xf32>,
        tpu.vector_store %arg18[%swap3A_246, %swap3A_247], %masked_cumsum3A_245 {strides = array<i32>} : memref<80x128xf32, #tpu.memory_space<vmem>>, vector<16xf32>,
        %swap3A_249 = arith.index_cast %add3A_94 : i32 to index
        %swap3A_250 = arith.constant 96 : index
        %swap3A_251 = tpu.vector_load %arg21[%swap3A_249, %swap3A_250] {strides = array<i32>} : memref<80x128xf32, #tpu.memory_space<vmem>>, vector<16xf32>,
        tpu.vector_store %arg21[%swap3A_249, %swap3A_250], %broadcast_in_dim3A_11 {strides = array<i32>} : memref<80x128xf32, #tpu.memory_space<vmem>>, vector<16xf32>,
        %get3A_252 = arith.index_cast %add3A_94 : i32 to index
        %get3A_253 = arith.constant 112 : index
        %get3A_254 = tpu.vector_load %arg18[%get3A_252, %get3A_253] {strides = array<i32>} : memref<80x128xf32, #tpu.memory_space<vmem>>, vector<16xf32>,
        %get3A_255 = arith.index_cast %add3A_94 : i32 to index
        %get3A_256 = arith.constant 112 : index
        %get3A_257 = tpu.vector_load %arg19[%get3A_255, %get3A_256] {strides = array<i32>} : memref<80x256xf32, #tpu.memory_space<vmem>>, vector<16xf32>,
        %add3A_258 = arith.addf %get3A_254, %get3A_257 : vector<16xf32>
        %mul3A_259 = arith.constant 2.000000e-01 : f32
        %mul3A_260 = vector.broadcast %mul3A_259 : f32 to vector<16xf32>
        %mul3A_261 = arith.mulf %add3A_258, %mul3A_260 : vector<16xf32>
        %max3A_262 = arith.maximumf %add3A_258, %mul3A_261 : vector<16xf32>
        %get3A_263 = arith.constant 112 : index
        %get3A_264 = tpu.vector_load %arg23[%get3A_263] {strides = array<i32>} : memref<128xf32, #tpu.memory_space<vmem>>, vector<16xf32>,
        %mul3A_265 = arith.mulf %max3A_262, %get3A_264 : vector<16xf32>
        %broadcast_in_dim3A_266 = arith.constant true
        %broadcast_in_dim3A_267 = vector.broadcast %broadcast_in_dim3A_266 : i1 to vector<16xi1>
        %masked_cumsum3A_268 = tpu.scan <sum>, %mul3A_265 masked %broadcast_in_dim3A_267 : vector<16xf32>, vector<16xi1> -> vector<16xf32>
        %swap3A_269 = arith.index_cast %add3A_94 : i32 to index
        %swap3A_270 = arith.constant 112 : index
        %swap3A_271 = tpu.vector_load %arg18[%swap3A_269, %swap3A_270] {strides = array<i32>} : memref<80x128xf32, #tpu.memory_space<vmem>>, vector<16xf32>,
        tpu.vector_store %arg18[%swap3A_269, %swap3A_270], %masked_cumsum3A_268 {strides = array<i32>} : memref<80x128xf32, #tpu.memory_space<vmem>>, vector<16xf32>,
        %swap3A_272 = arith.index_cast %add3A_94 : i32 to index
        %swap3A_273 = arith.constant 112 : index
        %swap3A_274 = tpu.vector_load %arg21[%swap3A_272, %swap3A_273] {strides = array<i32>} : memref<80x128xf32, #tpu.memory_space<vmem>>, vector<16xf32>,
        tpu.vector_store %arg21[%swap3A_272, %swap3A_273], %broadcast_in_dim3A_11 {strides = array<i32>} : memref<80x128xf32, #tpu.memory_space<vmem>>, vector<16xf32>,
      }
      %scan3A_63 = arith.constant 80 : i32
      %scan3A_64 = arith.constant 0 : i32
      %scan3A_65 = arith.constant 5 : i32
      %scan3A_66 = arith.addi %scan3A_64, %scan3A_65 : i32
      %scan3A_67 = arith.constant 1 : i32
      scf.for %scan3A_90 = %scan3A_64 to %scan3A_66 step %scan3A_67  : i32 {
        %mul3A_91 = arith.constant 1 : i32
        %mul3A_92 = arith.muli %scan3A_90, %mul3A_91 : i32
        %add3A_93 = arith.constant 0 : i32
        %add3A_94 = arith.addi %add3A_93, %mul3A_92 : i32
        %mul3A_95 = arith.constant 16 : i32
        %mul3A_96 = arith.muli %add3A_94, %mul3A_95 : i32
        %iota3A = tpu.iota {dimensions = array<i32: 0>} : vector<16xi32>
        %add3A_97 = vector.broadcast %mul3A_96 : i32 to vector<16xi32>
        %add3A_98 = arith.addi %add3A_97, %iota3A : vector<16xi32>
        %mul3A_99 = arith.constant 16 : i32
        %mul3A_100 = arith.muli %add3A_94, %mul3A_99 : i32
        %get3A = arith.index_cast %mul3A_100 : i32 to index
        %get3A_101 = tpu.vector_load %arg15[%get3A] {strides = array<i32>} : memref<80xi32, #tpu.memory_space<vmem>>, vector<16xi32>,
        %get3A_102 = arith.index_cast %mul3A_100 : i32 to index
        %get3A_103 = tpu.vector_load %arg13[%get3A_102] {strides = array<i32>} : memref<80xi32, #tpu.memory_space<vmem>>, vector<16xi32>,
        %sub3A = vector.broadcast %mul3A_2 : i32 to vector<16xi32>
        %sub3A_104 = arith.subi %get3A_103, %sub3A : vector<16xi32>
        %and3A = arith.constant 15 : i32
        %and3A_105 = vector.broadcast %and3A : i32 to vector<16xi32>
        %and3A_106 = arith.andi %sub3A_104, %and3A_105 : vector<16xi32>
        %mul3A_107 = arith.constant 8 : i32
        %mul3A_108 = vector.broadcast %mul3A_107 : i32 to vector<16xi32>
        %mul3A_109 = arith.muli %and3A_106, %mul3A_108 : vector<16xi32>
        %broadcast_in_dim3A_110 = arith.constant 15 : i32
        %broadcast_in_dim3A_111 = vector.broadcast %broadcast_in_dim3A_110 : i32 to vector<16xi32>
        %gather3A = tpu.vector_load_idx %arg18[%add3A_98, %broadcast_in_dim3A_111] : memref<80x128xf32, #tpu.memory_space<vmem>>[vector<16xi32>, vector<16xi32>], vector<16xf32>,
        %mul3A_112 = arith.constant 8 : i32
        %mul3A_113 = vector.broadcast %mul3A_112 : i32 to vector<16xi32>
        %mul3A_114 = arith.muli %get3A_101, %mul3A_113 : vector<16xi32>
        %add3A_115 = arith.constant 0 : i32
        %add3A_116 = vector.broadcast %add3A_115 : i32 to vector<16xi32>
        %add3A_117 = arith.addi %mul3A_114, %add3A_116 : vector<16xi32>
        %gather3A_118 = tpu.vector_load_idx %arg24[%add3A_117] : memref<80xf32, #tpu.memory_space<vmem>>[vector<16xi32>], vector<16xf32>,
        %add3A_119 = arith.addf %gather3A, %gather3A_118 : vector<16xf32>
        %exp3A = math.exp %add3A_119 : vector<16xf32>
        %broadcast_in_dim3A_120 = arith.constant 0 : i32
        %broadcast_in_dim3A_121 = vector.broadcast %broadcast_in_dim3A_120 : i32 to vector<16xi32>
        tpu.vector_store_idx %arg22[%add3A_98, %broadcast_in_dim3A_121], %exp3A : memref<80x16xf32, #tpu.memory_space<vmem>>[vector<16xi32>, vector<16xi32>], vector<16xf32>,
        %add3A_122 = arith.constant 0 : i32
        %add3A_123 = vector.broadcast %add3A_122 : i32 to vector<16xi32>
        %add3A_124 = arith.addi %mul3A_109, %add3A_123 : vector<16xi32>
        tpu.vector_store_idx %arg21[%add3A_98, %add3A_124], %exp3A : memref<80x128xf32, #tpu.memory_space<vmem>>[vector<16xi32>, vector<16xi32>], vector<16xf32>,
        %broadcast_in_dim3A_125 = arith.constant 31 : i32
        %broadcast_in_dim3A_126 = vector.broadcast %broadcast_in_dim3A_125 : i32 to vector<16xi32>
        %gather3A_127 = tpu.vector_load_idx %arg18[%add3A_98, %broadcast_in_dim3A_126] : memref<80x128xf32, #tpu.memory_space<vmem>>[vector<16xi32>, vector<16xi32>], vector<16xf32>,
        %mul3A_128 = arith.constant 8 : i32
        %mul3A_129 = vector.broadcast %mul3A_128 : i32 to vector<16xi32>
        %mul3A_130 = arith.muli %get3A_101, %mul3A_129 : vector<16xi32>
        %add3A_131 = arith.constant 1 : i32
        %add3A_132 = vector.broadcast %add3A_131 : i32 to vector<16xi32>
        %add3A_133 = arith.addi %mul3A_130, %add3A_132 : vector<16xi32>
        %gather3A_134 = tpu.vector_load_idx %arg24[%add3A_133] : memref<80xf32, #tpu.memory_space<vmem>>[vector<16xi32>], vector<16xf32>,
        %add3A_135 = arith.addf %gather3A_127, %gather3A_134 : vector<16xf32>
        %exp3A_136 = math.exp %add3A_135 : vector<16xf32>
        %broadcast_in_dim3A_137 = arith.constant 1 : i32
        %broadcast_in_dim3A_138 = vector.broadcast %broadcast_in_dim3A_137 : i32 to vector<16xi32>
        tpu.vector_store_idx %arg22[%add3A_98, %broadcast_in_dim3A_138], %exp3A_136 : memref<80x16xf32, #tpu.memory_space<vmem>>[vector<16xi32>, vector<16xi32>], vector<16xf32>,
        %add3A_139 = arith.constant 1 : i32
        %add3A_140 = vector.broadcast %add3A_139 : i32 to vector<16xi32>
        %add3A_141 = arith.addi %mul3A_109, %add3A_140 : vector<16xi32>
        tpu.vector_store_idx %arg21[%add3A_98, %add3A_141], %exp3A_136 : memref<80x128xf32, #tpu.memory_space<vmem>>[vector<16xi32>, vector<16xi32>], vector<16xf32>,
        %broadcast_in_dim3A_142 = arith.constant 47 : i32
        %broadcast_in_dim3A_143 = vector.broadcast %broadcast_in_dim3A_142 : i32 to vector<16xi32>
        %gather3A_144 = tpu.vector_load_idx %arg18[%add3A_98, %broadcast_in_dim3A_143] : memref<80x128xf32, #tpu.memory_space<vmem>>[vector<16xi32>, vector<16xi32>], vector<16xf32>,
        %mul3A_145 = arith.constant 8 : i32
        %mul3A_146 = vector.broadcast %mul3A_145 : i32 to vector<16xi32>
        %mul3A_147 = arith.muli %get3A_101, %mul3A_146 : vector<16xi32>
        %add3A_148 = arith.constant 2 : i32
        %add3A_149 = vector.broadcast %add3A_148 : i32 to vector<16xi32>
        %add3A_150 = arith.addi %mul3A_147, %add3A_149 : vector<16xi32>
        %gather3A_151 = tpu.vector_load_idx %arg24[%add3A_150] : memref<80xf32, #tpu.memory_space<vmem>>[vector<16xi32>], vector<16xf32>,
        %add3A_152 = arith.addf %gather3A_144, %gather3A_151 : vector<16xf32>
        %exp3A_153 = math.exp %add3A_152 : vector<16xf32>
        %broadcast_in_dim3A_154 = arith.constant 2 : i32
        %broadcast_in_dim3A_155 = vector.broadcast %broadcast_in_dim3A_154 : i32 to vector<16xi32>
        tpu.vector_store_idx %arg22[%add3A_98, %broadcast_in_dim3A_155], %exp3A_153 : memref<80x16xf32, #tpu.memory_space<vmem>>[vector<16xi32>, vector<16xi32>], vector<16xf32>,
        %add3A_156 = arith.constant 2 : i32
        %add3A_157 = vector.broadcast %add3A_156 : i32 to vector<16xi32>
        %add3A_158 = arith.addi %mul3A_109, %add3A_157 : vector<16xi32>
        tpu.vector_store_idx %arg21[%add3A_98, %add3A_158], %exp3A_153 : memref<80x128xf32, #tpu.memory_space<vmem>>[vector<16xi32>, vector<16xi32>], vector<16xf32>,
        %broadcast_in_dim3A_159 = arith.constant 63 : i32
        %broadcast_in_dim3A_160 = vector.broadcast %broadcast_in_dim3A_159 : i32 to vector<16xi32>
        %gather3A_161 = tpu.vector_load_idx %arg18[%add3A_98, %broadcast_in_dim3A_160] : memref<80x128xf32, #tpu.memory_space<vmem>>[vector<16xi32>, vector<16xi32>], vector<16xf32>,
        %mul3A_162 = arith.constant 8 : i32
        %mul3A_163 = vector.broadcast %mul3A_162 : i32 to vector<16xi32>
        %mul3A_164 = arith.muli %get3A_101, %mul3A_163 : vector<16xi32>
        %add3A_165 = arith.constant 3 : i32
        %add3A_166 = vector.broadcast %add3A_165 : i32 to vector<16xi32>
        %add3A_167 = arith.addi %mul3A_164, %add3A_166 : vector<16xi32>
        %gather3A_168 = tpu.vector_load_idx %arg24[%add3A_167] : memref<80xf32, #tpu.memory_space<vmem>>[vector<16xi32>], vector<16xf32>,
        %add3A_169 = arith.addf %gather3A_161, %gather3A_168 : vector<16xf32>
        %exp3A_170 = math.exp %add3A_169 : vector<16xf32>
        %broadcast_in_dim3A_171 = arith.constant 3 : i32
        %broadcast_in_dim3A_172 = vector.broadcast %broadcast_in_dim3A_171 : i32 to vector<16xi32>
        tpu.vector_store_idx %arg22[%add3A_98, %broadcast_in_dim3A_172], %exp3A_170 : memref<80x16xf32, #tpu.memory_space<vmem>>[vector<16xi32>, vector<16xi32>], vector<16xf32>,
        %add3A_173 = arith.constant 3 : i32
        %add3A_174 = vector.broadcast %add3A_173 : i32 to vector<16xi32>
        %add3A_175 = arith.addi %mul3A_109, %add3A_174 : vector<16xi32>
        tpu.vector_store_idx %arg21[%add3A_98, %add3A_175], %exp3A_170 : memref<80x128xf32, #tpu.memory_space<vmem>>[vector<16xi32>, vector<16xi32>], vector<16xf32>,
        %broadcast_in_dim3A_176 = arith.constant 79 : i32
        %broadcast_in_dim3A_177 = vector.broadcast %broadcast_in_dim3A_176 : i32 to vector<16xi32>
        %gather3A_178 = tpu.vector_load_idx %arg18[%add3A_98, %broadcast_in_dim3A_177] : memref<80x128xf32, #tpu.memory_space<vmem>>[vector<16xi32>, vector<16xi32>], vector<16xf32>,
        %mul3A_179 = arith.constant 8 : i32
        %mul3A_180 = vector.broadcast %mul3A_179 : i32 to vector<16xi32>
        %mul3A_181 = arith.muli %get3A_101, %mul3A_180 : vector<16xi32>
        %add3A_182 = arith.constant 4 : i32
        %add3A_183 = vector.broadcast %add3A_182 : i32 to vector<16xi32>
        %add3A_184 = arith.addi %mul3A_181, %add3A_183 : vector<16xi32>
        %gather3A_185 = tpu.vector_load_idx %arg24[%add3A_184] : memref<80xf32, #tpu.memory_space<vmem>>[vector<16xi32>], vector<16xf32>,
        %add3A_186 = arith.addf %gather3A_178, %gather3A_185 : vector<16xf32>
        %exp3A_187 = math.exp %add3A_186 : vector<16xf32>
        %broadcast_in_dim3A_188 = arith.constant 4 : i32
        %broadcast_in_dim3A_189 = vector.broadcast %broadcast_in_dim3A_188 : i32 to vector<16xi32>
        tpu.vector_store_idx %arg22[%add3A_98, %broadcast_in_dim3A_189], %exp3A_187 : memref<80x16xf32, #tpu.memory_space<vmem>>[vector<16xi32>, vector<16xi32>], vector<16xf32>,
        %add3A_190 = arith.constant 4 : i32
        %add3A_191 = vector.broadcast %add3A_190 : i32 to vector<16xi32>
        %add3A_192 = arith.addi %mul3A_109, %add3A_191 : vector<16xi32>
        tpu.vector_store_idx %arg21[%add3A_98, %add3A_192], %exp3A_187 : memref<80x128xf32, #tpu.memory_space<vmem>>[vector<16xi32>, vector<16xi32>], vector<16xf32>,
        %broadcast_in_dim3A_193 = arith.constant 95 : i32
        %broadcast_in_dim3A_194 = vector.broadcast %broadcast_in_dim3A_193 : i32 to vector<16xi32>
        %gather3A_195 = tpu.vector_load_idx %arg18[%add3A_98, %broadcast_in_dim3A_194] : memref<80x128xf32, #tpu.memory_space<vmem>>[vector<16xi32>, vector<16xi32>], vector<16xf32>,
        %mul3A_196 = arith.constant 8 : i32
        %mul3A_197 = vector.broadcast %mul3A_196 : i32 to vector<16xi32>
        %mul3A_198 = arith.muli %get3A_101, %mul3A_197 : vector<16xi32>
        %add3A_199 = arith.constant 5 : i32
        %add3A_200 = vector.broadcast %add3A_199 : i32 to vector<16xi32>
        %add3A_201 = arith.addi %mul3A_198, %add3A_200 : vector<16xi32>
        %gather3A_202 = tpu.vector_load_idx %arg24[%add3A_201] : memref<80xf32, #tpu.memory_space<vmem>>[vector<16xi32>], vector<16xf32>,
        %add3A_203 = arith.addf %gather3A_195, %gather3A_202 : vector<16xf32>
        %exp3A_204 = math.exp %add3A_203 : vector<16xf32>
        %broadcast_in_dim3A_205 = arith.constant 5 : i32
        %broadcast_in_dim3A_206 = vector.broadcast %broadcast_in_dim3A_205 : i32 to vector<16xi32>
        tpu.vector_store_idx %arg22[%add3A_98, %broadcast_in_dim3A_206], %exp3A_204 : memref<80x16xf32, #tpu.memory_space<vmem>>[vector<16xi32>, vector<16xi32>], vector<16xf32>,
        %add3A_207 = arith.constant 5 : i32
        %add3A_208 = vector.broadcast %add3A_207 : i32 to vector<16xi32>
        %add3A_209 = arith.addi %mul3A_109, %add3A_208 : vector<16xi32>
        tpu.vector_store_idx %arg21[%add3A_98, %add3A_209], %exp3A_204 : memref<80x128xf32, #tpu.memory_space<vmem>>[vector<16xi32>, vector<16xi32>], vector<16xf32>,
        %broadcast_in_dim3A_210 = arith.constant 111 : i32
        %broadcast_in_dim3A_211 = vector.broadcast %broadcast_in_dim3A_210 : i32 to vector<16xi32>
        %gather3A_212 = tpu.vector_load_idx %arg18[%add3A_98, %broadcast_in_dim3A_211] : memref<80x128xf32, #tpu.memory_space<vmem>>[vector<16xi32>, vector<16xi32>], vector<16xf32>,
        %mul3A_213 = arith.constant 8 : i32
        %mul3A_214 = vector.broadcast %mul3A_213 : i32 to vector<16xi32>
        %mul3A_215 = arith.muli %get3A_101, %mul3A_214 : vector<16xi32>
        %add3A_216 = arith.constant 6 : i32
        %add3A_217 = vector.broadcast %add3A_216 : i32 to vector<16xi32>
        %add3A_218 = arith.addi %mul3A_215, %add3A_217 : vector<16xi32>
        %gather3A_219 = tpu.vector_load_idx %arg24[%add3A_218] : memref<80xf32, #tpu.memory_space<vmem>>[vector<16xi32>], vector<16xf32>,
        %add3A_220 = arith.addf %gather3A_212, %gather3A_219 : vector<16xf32>
        %exp3A_221 = math.exp %add3A_220 : vector<16xf32>
        %broadcast_in_dim3A_222 = arith.constant 6 : i32
        %broadcast_in_dim3A_223 = vector.broadcast %broadcast_in_dim3A_222 : i32 to vector<16xi32>
        tpu.vector_store_idx %arg22[%add3A_98, %broadcast_in_dim3A_223], %exp3A_221 : memref<80x16xf32, #tpu.memory_space<vmem>>[vector<16xi32>, vector<16xi32>], vector<16xf32>,
        %add3A_224 = arith.constant 6 : i32
        %add3A_225 = vector.broadcast %add3A_224 : i32 to vector<16xi32>
        %add3A_226 = arith.addi %mul3A_109, %add3A_225 : vector<16xi32>
        tpu.vector_store_idx %arg21[%add3A_98, %add3A_226], %exp3A_221 : memref<80x128xf32, #tpu.memory_space<vmem>>[vector<16xi32>, vector<16xi32>], vector<16xf32>,
        %broadcast_in_dim3A_227 = arith.constant 127 : i32
        %broadcast_in_dim3A_228 = vector.broadcast %broadcast_in_dim3A_227 : i32 to vector<16xi32>
        %gather3A_229 = tpu.vector_load_idx %arg18[%add3A_98, %broadcast_in_dim3A_228] : memref<80x128xf32, #tpu.memory_space<vmem>>[vector<16xi32>, vector<16xi32>], vector<16xf32>,
        %mul3A_230 = arith.constant 8 : i32
        %mul3A_231 = vector.broadcast %mul3A_230 : i32 to vector<16xi32>
        %mul3A_232 = arith.muli %get3A_101, %mul3A_231 : vector<16xi32>
        %add3A_233 = arith.constant 7 : i32
        %add3A_234 = vector.broadcast %add3A_233 : i32 to vector<16xi32>
        %add3A_235 = arith.addi %mul3A_232, %add3A_234 : vector<16xi32>
        %gather3A_236 = tpu.vector_load_idx %arg24[%add3A_235] : memref<80xf32, #tpu.memory_space<vmem>>[vector<16xi32>], vector<16xf32>,
        %add3A_237 = arith.addf %gather3A_229, %gather3A_236 : vector<16xf32>
        %exp3A_238 = math.exp %add3A_237 : vector<16xf32>
        %broadcast_in_dim3A_239 = arith.constant 7 : i32
        %broadcast_in_dim3A_240 = vector.broadcast %broadcast_in_dim3A_239 : i32 to vector<16xi32>
        tpu.vector_store_idx %arg22[%add3A_98, %broadcast_in_dim3A_240], %exp3A_238 : memref<80x16xf32, #tpu.memory_space<vmem>>[vector<16xi32>, vector<16xi32>], vector<16xf32>,
        %add3A_241 = arith.constant 7 : i32
        %add3A_242 = vector.broadcast %add3A_241 : i32 to vector<16xi32>
        %add3A_243 = arith.addi %mul3A_109, %add3A_242 : vector<16xi32>
        tpu.vector_store_idx %arg21[%add3A_98, %add3A_243], %exp3A_238 : memref<80x128xf32, #tpu.memory_space<vmem>>[vector<16xi32>, vector<16xi32>], vector<16xf32>,
      }
      %scan3A_68 = arith.constant 5 : i32
      %scan3A_69 = arith.constant 0 : i32
      %scan3A_70 = arith.constant 80 : i32
      %scan3A_71 = arith.addi %scan3A_69, %scan3A_70 : i32
      %scan3A_72 = arith.constant 1 : i32
      scf.for %scan3A_90 = %scan3A_69 to %scan3A_71 step %scan3A_72  : i32 {
        %mul3A_91 = arith.constant 1 : i32
        %mul3A_92 = arith.muli %scan3A_90, %mul3A_91 : i32
        %add3A_93 = arith.constant 0 : i32
        %add3A_94 = arith.addi %add3A_93, %mul3A_92 : i32
        %broadcast_in_dim3A_95 = vector.broadcast %add3A_94 : i32 to vector<16xi32>
        %broadcast_in_dim3A_96 = arith.constant 0 : i32
        %broadcast_in_dim3A_97 = vector.broadcast %broadcast_in_dim3A_96 : i32 to vector<16xi32>
        %gather3A = tpu.vector_load_idx %arg22[%broadcast_in_dim3A_95, %broadcast_in_dim3A_97] : memref<80x16xf32, #tpu.memory_space<vmem>>[vector<16xi32>, vector<16xi32>], vector<16xf32>,
        %get3A = arith.index_cast %add3A_94 : i32 to index
        %get3A_98 = arith.constant 128 : index
        %get3A_99 = tpu.vector_load %arg19[%get3A, %get3A_98] {strides = array<i32>} : memref<80x256xf32, #tpu.memory_space<vmem>>, vector<16xf32>,
        %mul3A_100 = arith.mulf %get3A_99, %gather3A : vector<16xf32>
        %swap3A = arith.index_cast %add3A_94 : i32 to index
        %swap3A_101 = arith.constant 0 : index
        %swap3A_102 = tpu.vector_load %arg20[%swap3A, %swap3A_101] {strides = array<i32>} : memref<80x128xf32, #tpu.memory_space<vmem>>, vector<16xf32>,
        tpu.vector_store %arg20[%swap3A, %swap3A_101], %mul3A_100 {strides = array<i32>} : memref<80x128xf32, #tpu.memory_space<vmem>>, vector<16xf32>,
        %broadcast_in_dim3A_103 = arith.constant 1 : i32
        %broadcast_in_dim3A_104 = vector.broadcast %broadcast_in_dim3A_103 : i32 to vector<16xi32>
        %gather3A_105 = tpu.vector_load_idx %arg22[%broadcast_in_dim3A_95, %broadcast_in_dim3A_104] : memref<80x16xf32, #tpu.memory_space<vmem>>[vector<16xi32>, vector<16xi32>], vector<16xf32>,
        %get3A_106 = arith.index_cast %add3A_94 : i32 to index
        %get3A_107 = arith.constant 144 : index
        %get3A_108 = tpu.vector_load %arg19[%get3A_106, %get3A_107] {strides = array<i32>} : memref<80x256xf32, #tpu.memory_space<vmem>>, vector<16xf32>,
        %mul3A_109 = arith.mulf %get3A_108, %gather3A_105 : vector<16xf32>
        %swap3A_110 = arith.index_cast %add3A_94 : i32 to index
        %swap3A_111 = arith.constant 16 : index
        %swap3A_112 = tpu.vector_load %arg20[%swap3A_110, %swap3A_111] {strides = array<i32>} : memref<80x128xf32, #tpu.memory_space<vmem>>, vector<16xf32>,
        tpu.vector_store %arg20[%swap3A_110, %swap3A_111], %mul3A_109 {strides = array<i32>} : memref<80x128xf32, #tpu.memory_space<vmem>>, vector<16xf32>,
        %broadcast_in_dim3A_113 = arith.constant 2 : i32
        %broadcast_in_dim3A_114 = vector.broadcast %broadcast_in_dim3A_113 : i32 to vector<16xi32>
        %gather3A_115 = tpu.vector_load_idx %arg22[%broadcast_in_dim3A_95, %broadcast_in_dim3A_114] : memref<80x16xf32, #tpu.memory_space<vmem>>[vector<16xi32>, vector<16xi32>], vector<16xf32>,
        %get3A_116 = arith.index_cast %add3A_94 : i32 to index
        %get3A_117 = arith.constant 160 : index
        %get3A_118 = tpu.vector_load %arg19[%get3A_116, %get3A_117] {strides = array<i32>} : memref<80x256xf32, #tpu.memory_space<vmem>>, vector<16xf32>,
        %mul3A_119 = arith.mulf %get3A_118, %gather3A_115 : vector<16xf32>
        %swap3A_120 = arith.index_cast %add3A_94 : i32 to index
        %swap3A_121 = arith.constant 32 : index
        %swap3A_122 = tpu.vector_load %arg20[%swap3A_120, %swap3A_121] {strides = array<i32>} : memref<80x128xf32, #tpu.memory_space<vmem>>, vector<16xf32>,
        tpu.vector_store %arg20[%swap3A_120, %swap3A_121], %mul3A_119 {strides = array<i32>} : memref<80x128xf32, #tpu.memory_space<vmem>>, vector<16xf32>,
        %broadcast_in_dim3A_123 = arith.constant 3 : i32
        %broadcast_in_dim3A_124 = vector.broadcast %broadcast_in_dim3A_123 : i32 to vector<16xi32>
        %gather3A_125 = tpu.vector_load_idx %arg22[%broadcast_in_dim3A_95, %broadcast_in_dim3A_124] : memref<80x16xf32, #tpu.memory_space<vmem>>[vector<16xi32>, vector<16xi32>], vector<16xf32>,
        %get3A_126 = arith.index_cast %add3A_94 : i32 to index
        %get3A_127 = arith.constant 176 : index
        %get3A_128 = tpu.vector_load %arg19[%get3A_126, %get3A_127] {strides = array<i32>} : memref<80x256xf32, #tpu.memory_space<vmem>>, vector<16xf32>,
        %mul3A_129 = arith.mulf %get3A_128, %gather3A_125 : vector<16xf32>
        %swap3A_130 = arith.index_cast %add3A_94 : i32 to index
        %swap3A_131 = arith.constant 48 : index
        %swap3A_132 = tpu.vector_load %arg20[%swap3A_130, %swap3A_131] {strides = array<i32>} : memref<80x128xf32, #tpu.memory_space<vmem>>, vector<16xf32>,
        tpu.vector_store %arg20[%swap3A_130, %swap3A_131], %mul3A_129 {strides = array<i32>} : memref<80x128xf32, #tpu.memory_space<vmem>>, vector<16xf32>,
        %broadcast_in_dim3A_133 = arith.constant 4 : i32
        %broadcast_in_dim3A_134 = vector.broadcast %broadcast_in_dim3A_133 : i32 to vector<16xi32>
        %gather3A_135 = tpu.vector_load_idx %arg22[%broadcast_in_dim3A_95, %broadcast_in_dim3A_134] : memref<80x16xf32, #tpu.memory_space<vmem>>[vector<16xi32>, vector<16xi32>], vector<16xf32>,
        %get3A_136 = arith.index_cast %add3A_94 : i32 to index
        %get3A_137 = arith.constant 192 : index
        %get3A_138 = tpu.vector_load %arg19[%get3A_136, %get3A_137] {strides = array<i32>} : memref<80x256xf32, #tpu.memory_space<vmem>>, vector<16xf32>,
        %mul3A_139 = arith.mulf %get3A_138, %gather3A_135 : vector<16xf32>
        %swap3A_140 = arith.index_cast %add3A_94 : i32 to index
        %swap3A_141 = arith.constant 64 : index
        %swap3A_142 = tpu.vector_load %arg20[%swap3A_140, %swap3A_141] {strides = array<i32>} : memref<80x128xf32, #tpu.memory_space<vmem>>, vector<16xf32>,
        tpu.vector_store %arg20[%swap3A_140, %swap3A_141], %mul3A_139 {strides = array<i32>} : memref<80x128xf32, #tpu.memory_space<vmem>>, vector<16xf32>,
        %broadcast_in_dim3A_143 = arith.constant 5 : i32
        %broadcast_in_dim3A_144 = vector.broadcast %broadcast_in_dim3A_143 : i32 to vector<16xi32>
        %gather3A_145 = tpu.vector_load_idx %arg22[%broadcast_in_dim3A_95, %broadcast_in_dim3A_144] : memref<80x16xf32, #tpu.memory_space<vmem>>[vector<16xi32>, vector<16xi32>], vector<16xf32>,
        %get3A_146 = arith.index_cast %add3A_94 : i32 to index
        %get3A_147 = arith.constant 208 : index
        %get3A_148 = tpu.vector_load %arg19[%get3A_146, %get3A_147] {strides = array<i32>} : memref<80x256xf32, #tpu.memory_space<vmem>>, vector<16xf32>,
        %mul3A_149 = arith.mulf %get3A_148, %gather3A_145 : vector<16xf32>
        %swap3A_150 = arith.index_cast %add3A_94 : i32 to index
        %swap3A_151 = arith.constant 80 : index
        %swap3A_152 = tpu.vector_load %arg20[%swap3A_150, %swap3A_151] {strides = array<i32>} : memref<80x128xf32, #tpu.memory_space<vmem>>, vector<16xf32>,
        tpu.vector_store %arg20[%swap3A_150, %swap3A_151], %mul3A_149 {strides = array<i32>} : memref<80x128xf32, #tpu.memory_space<vmem>>, vector<16xf32>,
        %broadcast_in_dim3A_153 = arith.constant 6 : i32
        %broadcast_in_dim3A_154 = vector.broadcast %broadcast_in_dim3A_153 : i32 to vector<16xi32>
        %gather3A_155 = tpu.vector_load_idx %arg22[%broadcast_in_dim3A_95, %broadcast_in_dim3A_154] : memref<80x16xf32, #tpu.memory_space<vmem>>[vector<16xi32>, vector<16xi32>], vector<16xf32>,
        %get3A_156 = arith.index_cast %add3A_94 : i32 to index
        %get3A_157 = arith.constant 224 : index
        %get3A_158 = tpu.vector_load %arg19[%get3A_156, %get3A_157] {strides = array<i32>} : memref<80x256xf32, #tpu.memory_space<vmem>>, vector<16xf32>,
        %mul3A_159 = arith.mulf %get3A_158, %gather3A_155 : vector<16xf32>
        %swap3A_160 = arith.index_cast %add3A_94 : i32 to index
        %swap3A_161 = arith.constant 96 : index
        %swap3A_162 = tpu.vector_load %arg20[%swap3A_160, %swap3A_161] {strides = array<i32>} : memref<80x128xf32, #tpu.memory_space<vmem>>, vector<16xf32>,
        tpu.vector_store %arg20[%swap3A_160, %swap3A_161], %mul3A_159 {strides = array<i32>} : memref<80x128xf32, #tpu.memory_space<vmem>>, vector<16xf32>,
        %broadcast_in_dim3A_163 = arith.constant 7 : i32
        %broadcast_in_dim3A_164 = vector.broadcast %broadcast_in_dim3A_163 : i32 to vector<16xi32>
        %gather3A_165 = tpu.vector_load_idx %arg22[%broadcast_in_dim3A_95, %broadcast_in_dim3A_164] : memref<80x16xf32, #tpu.memory_space<vmem>>[vector<16xi32>, vector<16xi32>], vector<16xf32>,
        %get3A_166 = arith.index_cast %add3A_94 : i32 to index
        %get3A_167 = arith.constant 240 : index
        %get3A_168 = tpu.vector_load %arg19[%get3A_166, %get3A_167] {strides = array<i32>} : memref<80x256xf32, #tpu.memory_space<vmem>>, vector<16xf32>,
        %mul3A_169 = arith.mulf %get3A_168, %gather3A_165 : vector<16xf32>
        %swap3A_170 = arith.index_cast %add3A_94 : i32 to index
        %swap3A_171 = arith.constant 112 : index
        %swap3A_172 = tpu.vector_load %arg20[%swap3A_170, %swap3A_171] {strides = array<i32>} : memref<80x128xf32, #tpu.memory_space<vmem>>, vector<16xf32>,
        tpu.vector_store %arg20[%swap3A_170, %swap3A_171], %mul3A_169 {strides = array<i32>} : memref<80x128xf32, #tpu.memory_space<vmem>>, vector<16xf32>,
      }
      %scan3A_73 = arith.constant 80 : i32
      %dma_start3A_74 = arith.constant 0 : i32
      %dma_start3A_75 = tpu.memref_slice %arg11[%add3A_31, %dma_start3A_74] : memref<320000x128xf32, #tpu.memory_space<hbm>> -> memref<80x128xf32, #tpu.memory_space<hbm>>
      %dma_start3A_76 = arith.constant 0 : i32
      %dma_start3A_77 = tpu.memref_slice %arg11[%add3A_31, %dma_start3A_76] : memref<320000x128xf32, #tpu.memory_space<hbm>> -> memref<80x128xf32, #tpu.memory_space<hbm>>
      tpu.enqueue_dma source(%arg20 : memref<80x128xf32, #tpu.memory_space<vmem>>) target(%dma_start3A_77 : memref<80x128xf32, #tpu.memory_space<hbm>>) target_semaphore(%arg27 : memref<!tpu.dma_semaphore, #tpu.memory_space<semaphore_mem>>)
      %dma_start3A_78 = arith.constant 0 : i32
      %dma_start3A_79 = tpu.memref_slice %arg12[%add3A_31, %dma_start3A_78] : memref<320000x16xf32, #tpu.memory_space<hbm>> -> memref<80x16xf32, #tpu.memory_space<hbm>>
      %dma_start3A_80 = arith.constant 0 : i32
      %dma_start3A_81 = tpu.memref_slice %arg12[%add3A_31, %dma_start3A_80] : memref<320000x16xf32, #tpu.memory_space<hbm>> -> memref<80x16xf32, #tpu.memory_space<hbm>>
      tpu.enqueue_dma source(%arg22 : memref<80x16xf32, #tpu.memory_space<vmem>>) target(%dma_start3A_81 : memref<80x16xf32, #tpu.memory_space<hbm>>) target_semaphore(%arg28 : memref<!tpu.dma_semaphore, #tpu.memory_space<semaphore_mem>>)
      "tpu.region"() ({
        %run_scoped3A = tpu.sem_alloc : memref<!tpu.dma_semaphore, #tpu.memory_space<semaphore_mem>>
        %dma_start3A_90 = arith.constant 0 : i32
        %dma_start3A_91 = arith.constant 0 : i32
        %dma_start3A_92 = tpu.memref_slice %arg26[%dma_start3A_90, %dma_start3A_91] : memref<4480x128xf32, #tpu.memory_space<vmem_shared>> -> memref<4480x128xf32, #tpu.memory_space<vmem_shared>>
        tpu.enqueue_indirect_dma source(%arg20 : memref<80x128xf32, #tpu.memory_space<vmem>>) target(%dma_start3A_92 : memref<4480x128xf32, #tpu.memory_space<vmem_shared>>) offsets(%arg16 : memref<80xi32, #tpu.memory_space<vmem>>) semaphore(%run_scoped3A : memref<!tpu.dma_semaphore, #tpu.memory_space<semaphore_mem>>) {add = true}
        %dma_wait3A_93 = arith.constant 0 : i32
        %dma_wait3A_94 = arith.constant 0 : i32
        %dma_wait3A_95 = tpu.memref_slice %arg26[%dma_wait3A_93, %dma_wait3A_94] : memref<4480x128xf32, #tpu.memory_space<vmem_shared>> -> memref<4480x128xf32, #tpu.memory_space<vmem_shared>>
        tpu.wait_indirect_dma semaphore(%run_scoped3A : memref<!tpu.dma_semaphore, #tpu.memory_space<semaphore_mem>>) src(%arg20 : memref<80x128xf32, #tpu.memory_space<vmem>>) dst(%dma_wait3A_95 : memref<4480x128xf32, #tpu.memory_space<vmem_shared>>)
        tpu.yield
      }) : () -> ()
      "tpu.region"() ({
        %run_scoped3A = tpu.sem_alloc : memref<!tpu.dma_semaphore, #tpu.memory_space<semaphore_mem>>
        %dma_start3A_90 = arith.constant 0 : i32
        %dma_start3A_91 = arith.constant 0 : i32
        %dma_start3A_92 = tpu.memref_slice %arg26[%dma_start3A_90, %dma_start3A_91] : memref<4480x128xf32, #tpu.memory_space<vmem_shared>> -> memref<4480x128xf32, #tpu.memory_space<vmem_shared>>
        tpu.enqueue_indirect_dma source(%arg21 : memref<80x128xf32, #tpu.memory_space<vmem>>) target(%dma_start3A_92 : memref<4480x128xf32, #tpu.memory_space<vmem_shared>>) offsets(%arg17 : memref<80xi32, #tpu.memory_space<vmem>>) semaphore(%run_scoped3A : memref<!tpu.dma_semaphore, #tpu.memory_space<semaphore_mem>>) {add = true}
        %dma_wait3A_93 = arith.constant 0 : i32
        %dma_wait3A_94 = arith.constant 0 : i32
        %dma_wait3A_95 = tpu.memref_slice %arg26[%dma_wait3A_93, %dma_wait3A_94] : memref<4480x128xf32, #tpu.memory_space<vmem_shared>> -> memref<4480x128xf32, #tpu.memory_space<vmem_shared>>
        tpu.wait_indirect_dma semaphore(%run_scoped3A : memref<!tpu.dma_semaphore, #tpu.memory_space<semaphore_mem>>) src(%arg21 : memref<80x128xf32, #tpu.memory_space<vmem>>) dst(%dma_wait3A_95 : memref<4480x128xf32, #tpu.memory_space<vmem_shared>>)
        tpu.yield
      }) : () -> ()
      %dma_wait3A_82 = arith.constant 0 : i32
      %dma_wait3A_83 = tpu.memref_slice %arg11[%add3A_31, %dma_wait3A_82] : memref<320000x128xf32, #tpu.memory_space<hbm>> -> memref<80x128xf32, #tpu.memory_space<hbm>>
      %dma_wait3A_84 = arith.constant 0 : i32
      %dma_wait3A_85 = tpu.memref_slice %arg11[%add3A_31, %dma_wait3A_84] : memref<320000x128xf32, #tpu.memory_space<hbm>> -> memref<80x128xf32, #tpu.memory_space<hbm>>
      tpu.wait_dma2 semaphore(%arg27 : memref<!tpu.dma_semaphore, #tpu.memory_space<semaphore_mem>>) src(%arg20 : memref<80x128xf32, #tpu.memory_space<vmem>>) dst(%dma_wait3A_85 : memref<80x128xf32, #tpu.memory_space<hbm>>)
      %dma_wait3A_86 = arith.constant 0 : i32
      %dma_wait3A_87 = tpu.memref_slice %arg12[%add3A_31, %dma_wait3A_86] : memref<320000x16xf32, #tpu.memory_space<hbm>> -> memref<80x16xf32, #tpu.memory_space<hbm>>
      %dma_wait3A_88 = arith.constant 0 : i32
      %dma_wait3A_89 = tpu.memref_slice %arg12[%add3A_31, %dma_wait3A_88] : memref<320000x16xf32, #tpu.memory_space<hbm>> -> memref<80x16xf32, #tpu.memory_space<hbm>>
      tpu.wait_dma2 semaphore(%arg28 : memref<!tpu.dma_semaphore, #tpu.memory_space<semaphore_mem>>) src(%arg22 : memref<80x16xf32, #tpu.memory_space<vmem>>) dst(%dma_wait3A_89 : memref<80x16xf32, #tpu.memory_space<hbm>>)
    }
    %scan3A_18 = arith.constant 125 : i32
    %barrier3A_19 = arith.constant 0 : index
    tpu.barrier barrier_id(%barrier3A_19)
    %mul3A_20 = arith.constant 256 : i32
    %mul3A_21 = arith.muli %arg1, %mul3A_20 : i32
    "tpu.region"() ({
      %run_scoped3A = tpu.sem_alloc : memref<!tpu.dma_semaphore, #tpu.memory_space<semaphore_mem>>
      %dma_start3A = arith.constant 0 : i32
      %dma_start3A_24 = tpu.memref_slice %arg9[%arg0, %mul3A_21, %dma_start3A] : memref<2x4096x128xf32, #tpu.memory_space<hbm>> -> memref<1x256x128xf32, #tpu.memory_space<hbm>>
      %dma_start3A_25 = tpu.memref_squeeze %dma_start3A_24 : memref<1x256x128xf32, #tpu.memory_space<hbm>> -> memref<256x128xf32, #tpu.memory_space<hbm>>
      %dma_start3A_26 = arith.constant 0 : i32
      %dma_start3A_27 = tpu.memref_slice %arg26[%mul3A_21, %dma_start3A_26] : memref<4480x128xf32, #tpu.memory_space<vmem_shared>> -> memref<256x128xf32, #tpu.memory_space<vmem_shared>>
      tpu.enqueue_dma source(%dma_start3A_27 : memref<256x128xf32, #tpu.memory_space<vmem_shared>>) target(%dma_start3A_25 : memref<256x128xf32, #tpu.memory_space<hbm>>) target_semaphore(%run_scoped3A : memref<!tpu.dma_semaphore, #tpu.memory_space<semaphore_mem>>)
      %dma_wait3A = arith.constant 0 : i32
      %dma_wait3A_28 = tpu.memref_slice %arg9[%arg0, %mul3A_21, %dma_wait3A] : memref<2x4096x128xf32, #tpu.memory_space<hbm>> -> memref<1x256x128xf32, #tpu.memory_space<hbm>>
      %dma_wait3A_29 = tpu.memref_squeeze %dma_wait3A_28 : memref<1x256x128xf32, #tpu.memory_space<hbm>> -> memref<256x128xf32, #tpu.memory_space<hbm>>
      %dma_wait3A_30 = arith.constant 0 : i32
      %dma_wait3A_31 = tpu.memref_slice %arg26[%mul3A_21, %dma_wait3A_30] : memref<4480x128xf32, #tpu.memory_space<vmem_shared>> -> memref<256x128xf32, #tpu.memory_space<vmem_shared>>
      tpu.wait_dma2 semaphore(%run_scoped3A : memref<!tpu.dma_semaphore, #tpu.memory_space<semaphore_mem>>) src(%dma_wait3A_31 : memref<256x128xf32, #tpu.memory_space<vmem_shared>>) dst(%dma_wait3A_29 : memref<256x128xf32, #tpu.memory_space<hbm>>)
      tpu.yield
    }) : () -> ()
    %lt3A = arith.constant 8 : i32
    %lt3A_22 = arith.cmpi slt, %arg1, %lt3A : i32
    %convert_element_type3A = arith.extui %lt3A_22 : i1 to i32
    %cond3A = arith.constant 0 : i32
    %cond3A_23 = arith.cmpi ne, %convert_element_type3A, %cond3A : i32
    scf.if %cond3A_23 {
      %mul3A_24 = arith.constant 32 : i32
      %mul3A_25 = arith.muli %arg1, %mul3A_24 : i32
      %add3A_26 = arith.constant 4096 : i32
      %add3A_27 = arith.addi %add3A_26, %mul3A_25 : i32
      "tpu.region"() ({
        %run_scoped3A = tpu.sem_alloc : memref<!tpu.dma_semaphore, #tpu.memory_space<semaphore_mem>>
        %dma_start3A = arith.constant 0 : i32
        %dma_start3A_28 = tpu.memref_slice %arg10[%arg0, %mul3A_25, %dma_start3A] : memref<2x256x128xf32, #tpu.memory_space<hbm>> -> memref<1x32x128xf32, #tpu.memory_space<hbm>>
        %dma_start3A_29 = tpu.memref_squeeze %dma_start3A_28 : memref<1x32x128xf32, #tpu.memory_space<hbm>> -> memref<32x128xf32, #tpu.memory_space<hbm>>
        %dma_start3A_30 = arith.constant 0 : i32
        %dma_start3A_31 = tpu.memref_slice %arg26[%add3A_27, %dma_start3A_30] : memref<4480x128xf32, #tpu.memory_space<vmem_shared>> -> memref<32x128xf32, #tpu.memory_space<vmem_shared>>
        tpu.enqueue_dma source(%dma_start3A_31 : memref<32x128xf32, #tpu.memory_space<vmem_shared>>) target(%dma_start3A_29 : memref<32x128xf32, #tpu.memory_space<hbm>>) target_semaphore(%run_scoped3A : memref<!tpu.dma_semaphore, #tpu.memory_space<semaphore_mem>>)
        %dma_wait3A = arith.constant 0 : i32
        %dma_wait3A_32 = tpu.memref_slice %arg10[%arg0, %mul3A_25, %dma_wait3A] : memref<2x256x128xf32, #tpu.memory_space<hbm>> -> memref<1x32x128xf32, #tpu.memory_space<hbm>>
        %dma_wait3A_33 = tpu.memref_squeeze %dma_wait3A_32 : memref<1x32x128xf32, #tpu.memory_space<hbm>> -> memref<32x128xf32, #tpu.memory_space<hbm>>
        %dma_wait3A_34 = arith.constant 0 : i32
        %dma_wait3A_35 = tpu.memref_slice %arg26[%add3A_27, %dma_wait3A_34] : memref<4480x128xf32, #tpu.memory_space<vmem_shared>> -> memref<32x128xf32, #tpu.memory_space<vmem_shared>>
        tpu.wait_dma2 semaphore(%run_scoped3A : memref<!tpu.dma_semaphore, #tpu.memory_space<semaphore_mem>>) src(%dma_wait3A_35 : memref<32x128xf32, #tpu.memory_space<vmem_shared>>) dst(%dma_wait3A_33 : memref<32x128xf32, #tpu.memory_space<hbm>>)
        tpu.yield
      }) : () -> ()
    } else {
    }
    return
  }
}

module attributes {stable_mosaic.version = 14 : i64} {
  func.func @_pre_body(%arg0: i32, %arg1: memref<400x128xf32, #tpu.memory_space<vmem>>, %arg2: memref<128x128xf32, #tpu.memory_space<vmem>>, %arg3: memref<128x128xf32, #tpu.memory_space<vmem>>, %arg4: memref<128x128xf32, #tpu.memory_space<vmem>>, %arg5: memref<1x128xf32, #tpu.memory_space<vmem>>, %arg6: memref<1x128xf32, #tpu.memory_space<vmem>>, %arg7: memref<400x128xf32, #tpu.memory_space<vmem>>, %arg8: memref<400x256xf32, #tpu.memory_space<vmem>>) attributes {dimension_semantics = [#tpu.dimension_semantics<arbitrary>], iteration_bounds = array<i64: 25>, scalar_prefetch = 0 : i64, scratch_operands = 0 : i64, tpu.core_type = #tpu.core_type<tc>, window_params = [{transform_indices = @transform_0, window_bounds = array<i64: 400, 128>}, {pipeline_mode = #tpu.pipeline_mode<synchronous>, transform_indices = @transform_1, window_bounds = array<i64: 128, 128>}, {pipeline_mode = #tpu.pipeline_mode<synchronous>, transform_indices = @transform_2, window_bounds = array<i64: 128, 128>}, {pipeline_mode = #tpu.pipeline_mode<synchronous>, transform_indices = @transform_3, window_bounds = array<i64: 128, 128>}, {pipeline_mode = #tpu.pipeline_mode<synchronous>, transform_indices = @transform_4, window_bounds = array<i64: 1, 128>}, {pipeline_mode = #tpu.pipeline_mode<synchronous>, transform_indices = @transform_5, window_bounds = array<i64: 1, 128>}, {transform_indices = @transform_6, window_bounds = array<i64: 400, 128>}, {transform_indices = @transform_7, window_bounds = array<i64: 400, 256>}]} {
    %get3A = arith.constant 0 : index
    %get3A_0 = arith.constant 0 : index
    %get3A_1 = vector.load %arg1[%get3A, %get3A_0] : memref<400x128xf32, #tpu.memory_space<vmem>>, vector<400x128xf32>
    %get3A_2 = arith.constant 0 : index
    %get3A_3 = arith.constant 0 : index
    %get3A_4 = vector.load %arg2[%get3A_2, %get3A_3] : memref<128x128xf32, #tpu.memory_space<vmem>>, vector<128x128xf32>
    %dot_general3A = arith.constant dense<0.000000e+00> : vector<400x128xf32>
    %dot_general3A_5 = tpu.matmul %get3A_1, %get3A_4, %dot_general3A {dimension_numbers = #tpu.dot_dimension_numbers<[1], [0], [0], [1], [0, 0, 1, 1], [], []>, transpose_lhs_hint = false} : vector<400x128xf32>, vector<128x128xf32>, vector<400x128xf32> -> vector<400x128xf32>
    %get3A_6 = arith.constant 0 : index
    %get3A_7 = arith.constant 0 : index
    %get3A_8 = vector.load %arg5[%get3A_6, %get3A_7] : memref<1x128xf32, #tpu.memory_space<vmem>>, vector<1x128xf32>
    %add3A = vector.broadcast %get3A_8 : vector<1x128xf32> to vector<400x128xf32>
    %add3A_9 = arith.addf %dot_general3A_5, %add3A : vector<400x128xf32>
    %swap3A = arith.constant 0 : index
    %swap3A_10 = arith.constant 0 : index
    %swap3A_11 = vector.load %arg7[%swap3A, %swap3A_10] : memref<400x128xf32, #tpu.memory_space<vmem>>, vector<400x128xf32>
    tpu.vector_store %arg7[%swap3A, %swap3A_10], %add3A_9 {strides = array<i32>} : memref<400x128xf32, #tpu.memory_space<vmem>>, vector<400x128xf32>,
    %get3A_12 = arith.constant 0 : index
    %get3A_13 = arith.constant 0 : index
    %get3A_14 = vector.load %arg3[%get3A_12, %get3A_13] : memref<128x128xf32, #tpu.memory_space<vmem>>, vector<128x128xf32>
    %dot_general3A_15 = arith.constant dense<0.000000e+00> : vector<400x128xf32>
    %dot_general3A_16 = tpu.matmul %get3A_1, %get3A_14, %dot_general3A_15 {dimension_numbers = #tpu.dot_dimension_numbers<[1], [0], [0], [1], [0, 0, 1, 1], [], []>, transpose_lhs_hint = false} : vector<400x128xf32>, vector<128x128xf32>, vector<400x128xf32> -> vector<400x128xf32>
    %swap3A_17 = arith.constant 0 : index
    %swap3A_18 = arith.constant 0 : index
    %swap3A_19 = vector.load %arg8[%swap3A_17, %swap3A_18] : memref<400x256xf32, #tpu.memory_space<vmem>>, vector<400x128xf32>
    tpu.vector_store %arg8[%swap3A_17, %swap3A_18], %dot_general3A_16 {strides = array<i32>} : memref<400x256xf32, #tpu.memory_space<vmem>>, vector<400x128xf32>,
    %get3A_20 = arith.constant 0 : index
    %get3A_21 = arith.constant 0 : index
    %get3A_22 = vector.load %arg4[%get3A_20, %get3A_21] : memref<128x128xf32, #tpu.memory_space<vmem>>, vector<128x128xf32>
    %dot_general3A_23 = arith.constant dense<0.000000e+00> : vector<400x128xf32>
    %dot_general3A_24 = tpu.matmul %get3A_1, %get3A_22, %dot_general3A_23 {dimension_numbers = #tpu.dot_dimension_numbers<[1], [0], [0], [1], [0, 0, 1, 1], [], []>, transpose_lhs_hint = false} : vector<400x128xf32>, vector<128x128xf32>, vector<400x128xf32> -> vector<400x128xf32>
    %get3A_25 = arith.constant 0 : index
    %get3A_26 = arith.constant 0 : index
    %get3A_27 = vector.load %arg6[%get3A_25, %get3A_26] : memref<1x128xf32, #tpu.memory_space<vmem>>, vector<1x128xf32>
    %add3A_28 = vector.broadcast %get3A_27 : vector<1x128xf32> to vector<400x128xf32>
    %add3A_29 = arith.addf %dot_general3A_24, %add3A_28 : vector<400x128xf32>
    %swap3A_30 = arith.constant 0 : index
    %swap3A_31 = arith.constant 128 : index
    %swap3A_32 = vector.load %arg8[%swap3A_30, %swap3A_31] : memref<400x256xf32, #tpu.memory_space<vmem>>, vector<400x128xf32>
    tpu.vector_store %arg8[%swap3A_30, %swap3A_31], %add3A_29 {strides = array<i32>} : memref<400x256xf32, #tpu.memory_space<vmem>>, vector<400x128xf32>,
    return
  }
  func.func @transform_0(%arg0: i32) -> (i32, i32) {
    %c0_i32 = arith.constant 0 : i32
    %c0_i32_0 = arith.constant 0 : i32
    return %arg0, %c0_i32 : i32, i32
  }
  func.func @transform_1(%arg0: i32) -> (i32, i32) {
    %c0_i32 = arith.constant 0 : i32
    %c0_i32_0 = arith.constant 0 : i32
    %c0_i32_1 = arith.constant 0 : i32
    return %c0_i32, %c0_i32_0 : i32, i32
  }
  func.func @transform_2(%arg0: i32) -> (i32, i32) {
    %c0_i32 = arith.constant 0 : i32
    %c0_i32_0 = arith.constant 0 : i32
    %c0_i32_1 = arith.constant 0 : i32
    return %c0_i32, %c0_i32_0 : i32, i32
  }
  func.func @transform_3(%arg0: i32) -> (i32, i32) {
    %c0_i32 = arith.constant 0 : i32
    %c0_i32_0 = arith.constant 0 : i32
    %c0_i32_1 = arith.constant 0 : i32
    return %c0_i32, %c0_i32_0 : i32, i32
  }
  func.func @transform_4(%arg0: i32) -> (i32, i32) {
    %c0_i32 = arith.constant 0 : i32
    %c0_i32_0 = arith.constant 0 : i32
    %c0_i32_1 = arith.constant 0 : i32
    return %c0_i32, %c0_i32_0 : i32, i32
  }
  func.func @transform_5(%arg0: i32) -> (i32, i32) {
    %c0_i32 = arith.constant 0 : i32
    %c0_i32_0 = arith.constant 0 : i32
    %c0_i32_1 = arith.constant 0 : i32
    return %c0_i32, %c0_i32_0 : i32, i32
  }
  func.func @transform_6(%arg0: i32) -> (i32, i32) {
    %c0_i32 = arith.constant 0 : i32
    %c0_i32_0 = arith.constant 0 : i32
    return %arg0, %c0_i32 : i32, i32
  }
  func.func @transform_7(%arg0: i32) -> (i32, i32) {
    %c0_i32 = arith.constant 0 : i32
    %c0_i32_0 = arith.constant 0 : i32
    return %arg0, %c0_i32 : i32, i32
  }
}

</mosaic_0001>

<sc_bundles>
// kernel: _stage1.4.cloned.1.call-start
scs
__scs_entry_jumppad:
0x0: {  	(pc) =	sbr.rel $0x88, $3  }
0x1: {  	(tag) =	ssettag $0x0;
	lr =	simm.s32 $0x1  }
0x2: {  	[smem:$0x3F97] =	sst lr;
	_ =	strace $0xD0000000  }
0x3: {  	_ = 	snop  }
0x4: {  	_ = 	snop  }
0x5: {  	_ = 	snop  }
0x6: {  	_ = 	snop  }
0x7: {  	_ = 	snop  }
__scs_overlays_trampoline_lowered:
0x8: {  	[smem:$0x3FA6] =	sst s0  }
0x9: {  	[smem:$0x3FA7] =	sst s1  }
0xa: {  	[smem:$0x3FA8] =	sst s2  }
0xb: {  	[smem:$0x3FA9] =	sst s3  }
0xc: {  	[smem:$0x3FAA] =	sst s4  }
0xd: {  	[smem:$0x3FAB] =	sst s5  }
0xe: {  	[smem:$0x3FAC] =	sst s6  }
0xf: {  	[smem:$0x3FAD] =	sst s7  }
0x10: {  	[smem:$0x3FAE] =	sst s8  }
0x11: {  	[smem:$0x3FAF] =	sst s9;
	s0 =	simm.s32 @!p0 $0x0  }
0x12: {  	s1 =	sld [smem:$0x3F95];
	s0 =	simm.s32 @p0 $0x1  }
0x13: {  	[smem:$0x3FB0] =	sst s0;
	s0 =	simm.s32 @!p1 $0x0  }
0x14: {  	s2 =	sld [smem:$0x3F94];
	s0 =	simm.s32 @p1 $0x1  }
0x15: {  	[smem:$0x3FB1] =	sst s0;
	s0 =	simm.s32 @!p2 $0x0  }
0x16: {  	s3 =	sld [smem:$0x3FDB];
	s0 =	simm.s32 @p2 $0x1  }
0x17: {  	s4 =	simm.s32 $0x1BF5;
	[smem:$0x3FB3] =	sst s0  }
0x18: {  	s0 =	sld [smem:$0x3F96];
	_ =	swait.ge [sflag:s4], $0x0  }
0x19: {  	s7 =	sld [smem:$0x3F97]  }
0x1a: {  	s8 =	sadd.s32 $0xFFFFE003, lr  }
0x1b: {  	s9 =	sadd.s32 $0xFFFFFEF7, lr;
	s5 =	simm.s32 $0xFFFFFFFF;
	p2 =	slt.u32 s8, $0xFFFFF086  }
0x1c: {  	p1 =	slt.u32 s9, $0xF7A;
	s5 =	simm.s32 @!p2 $0x0  }
0x1d: {  	s5 =	simm.s32 @p1 $0x1;
	p0 =	seq.s32 s7, s2  }
0x1e: {  	s7 =	smul.u32 @!p0 $0xF7A, s2;
	p2 =	seq.s32 @!p0 s5, $0x0  }
0x1f: {  	s9 =	smul.u32 $0xF7A, s1;
	s8 =	simm.s32 @!p0 $0x1BF5;
	p2 =	por !p2, p0  }
0x20: {  	[sflag:s8] =	ssyncset.s32 @!p0 $0xFFFFF086;
	s6 =	sadd.s32 @!p0 s3, s7;
	s7 =	simm.s32 @!p0 $0x108  }
0x21: {  	s3 =	sadd.s32 s3, s9;
	s6 =	sadd.s32 @!p0 $0x88, s6;
	s7 =	simm.s32 @p2 $0x1082  }
0x22: {  	[simem:s7], [sflag:s8] =	dma.local @!p0 [hbm:s6], $0xF7A  }
0x23: {  	s9 =	sor.u32 $0xD0000000, s2;
	s6 =	simm.s32 $0x108;
	_ =	swait.ge @!p0 [sflag:s8], $0x0  }
0x24: {  	s3 =	sadd.s32 $0x88, s3;
	s6 =	simm.s32 @!p1 $0x1082;
	[sflag:s4] =	ssyncset.s32 $0xFFFFF086  }
0x25: {  	[simem:s6], [sflag:s4] =	dma.local [hbm:s3], $0xF7A  }
0x26: {  	[smem:$0x3F97] =	sst s1;
	(tag) =	ssettag s2;
	_ =	strace s9  }
0x27: {  	s1 =	sld [smem:$0x3FA7]  }
0x28: {  	s2 =	sld [smem:$0x3FA8]  }
0x29: {  	s4 =	sld [smem:$0x3FAA]  }
0x2a: {  	p0 =	seq.s32 s5, $0x0;
	s5 =	sld [smem:$0x3FAB]  }
0x2b: {  	s6 =	sld [smem:$0x3FAC]  }
0x2c: {  	s7 =	sld [smem:$0x3FAD]  }
0x2d: {  	s3 =	simm.s32 $0x108;
	s8 =	sld [smem:$0x3FAE]  }
0x2e: {  	s3 =	simm.s32 @!p0 $0x1082;
	s9 =	sld [smem:$0x3FAF]  }
0x2f: {  	lr =	sadd.s32 s0, s3;
	s0 =	sld [smem:$0x3FA6]  }
0x30: {  	s3 =	sld [smem:$0x3FA9]  }
0x31: {  	[smem:$0x3FB2] =	sst s10  }
0x32: {  	s10 =	sld [smem:$0x3FB0];
	_ =	sdelay $0x3  }
0x33: {  	p0 =	seq.s32 s10, $0x1;
	s10 =	sld [smem:$0x3FB2];
	_ =	sdelay $0x3  }
0x34: {  	[smem:$0x3FB2] =	sst s10  }
0x35: {  	s10 =	sld [smem:$0x3FB1];
	_ =	sdelay $0x3  }
0x36: {  	p1 =	seq.s32 s10, $0x1;
	s10 =	sld [smem:$0x3FB2];
	_ =	sdelay $0x3  }
0x37: {  	[smem:$0x3FB2] =	sst s10  }
0x38: {  	s10 =	sld [smem:$0x3FB3]  }
0x39: {  	_ = 	snop;
	(pc) =	sbr.ind lr, $3  }
0x3a: {  	_ = 	snop  }
0x3b: {  	_ = 	snop  }
0x3c: {  	p2 =	seq.s32 s10, $0x1;
	s10 =	sld [smem:$0x3FB2]  }
0x3d: {  	_ =	shalt  }
0x3e: {  	_ =	shalt  }
0x3f: {  	_ =	shalt  }
0x40: {  	_ =	shalt  }
0x41: {  	_ =	shalt  }
0x42: {  	_ =	shalt  }
0x43: {  	_ =	shalt  }
0x44: {  	_ =	shalt  }
0x45: {  	_ =	shalt  }
0x46: {  	_ =	shalt  }
0x47: {  	_ =	shalt  }
0x48: {  	_ =	shalt  }
0x49: {  	_ =	shalt  }
0x4a: {  	_ =	shalt  }
0x4b: {  	_ =	shalt  }
0x4c: {  	_ =	shalt  }
0x4d: {  	_ =	shalt  }
0x4e: {  	_ =	shalt  }
0x4f: {  	_ =	shalt  }
0x50: {  	_ =	shalt  }
0x51: {  	_ =	shalt  }
0x52: {  	_ =	shalt  }
0x53: {  	_ =	shalt  }
0x54: {  	_ =	shalt  }
0x55: {  	_ =	shalt  }
0x56: {  	_ =	shalt  }
0x57: {  	_ =	shalt  }
0x58: {  	_ =	shalt  }
0x59: {  	_ =	shalt  }
0x5a: {  	_ =	shalt  }
0x5b: {  	_ =	shalt  }
0x5c: {  	_ =	shalt  }
0x5d: {  	_ =	shalt  }
0x5e: {  	_ =	shalt  }
0x5f: {  	_ =	shalt  }
0x60: {  	_ =	shalt  }
0x61: {  	_ =	shalt  }
0x62: {  	_ =	shalt  }
0x63: {  	_ =	shalt  }
0x64: {  	_ =	shalt  }
0x65: {  	_ =	shalt  }
0x66: {  	_ =	shalt  }
0x67: {  	_ =	shalt  }
0x68: {  	_ =	shalt  }
0x69: {  	_ =	shalt  }
0x6a: {  	_ =	shalt  }
0x6b: {  	_ =	shalt  }
0x6c: {  	_ =	shalt  }
0x6d: {  	_ =	shalt  }
0x6e: {  	_ =	shalt  }
0x6f: {  	_ =	shalt  }
0x70: {  	_ =	shalt  }
0x71: {  	_ =	shalt  }
0x72: {  	_ =	shalt  }
0x73: {  	_ =	shalt  }
0x74: {  	_ =	shalt  }
0x75: {  	_ =	shalt  }
0x76: {  	_ =	shalt  }
0x77: {  	_ =	shalt  }
0x78: {  	_ =	shalt  }
0x79: {  	_ =	shalt  }
0x7a: {  	_ =	shalt  }
0x7b: {  	_ =	shalt  }
0x7c: {  	_ =	shalt  }
0x7d: {  	_ =	shalt  }
0x7e: {  	_ =	shalt  }
0x7f: {  	_ =	shalt  }
0x80: {  	_ =	shalt  }
0x81: {  	_ =	shalt  }
0x82: {  	_ =	shalt  }
0x83: {  	_ =	shalt  }
0x84: {  	_ =	shalt  }
0x85: {  	_ =	shalt  }
0x86: {  	_ =	shalt  }
0x87: {  	_ =	shalt  }
.Lfunc_end0:
.L_simem_size_0:
called_computation_lowered:
.L_overlay_start_0:
0x88: {  	s2 =	sld [smem:$0x3FD9]  }
0x89: {  	s3 =	sld [smem:$0x3FFE];
	_ =	sdelay $0x1  }
0x8a: {  	s1 =	srdreg.scid  }
0x8b: {  	s0 =	sand.u32 $0x1, s1  }
0x8c: {  	s14 =	sshll.u32 s0, $0xA;
	s2 =	sadd.s32 s3, s2  }
0x8d: {  	s2 =	sadd.s32 s2, s14  }
0x8e: {  	[smem:$0x3FBE] =	sst s2  }
0x8f: {  	_ = 	snop  }
0x90: {  	s2 =	sld [smem:$0x3FD0]  }
0x91: {  	s15 =	sld [smem:$0x3FC8]  }
0x92: {  	s4 =	sld [smem:$0x3FC7]  }
0x93: {  	s6 =	simm.s32 $0xA;
	s7 =	simm.s32 $0x10;
	s5 =	sld [smem:$0x3FC6]  }
0x94: {  	[smem:s7], [sflag:s6] =	dma.local [hbm:s2], $0x1  }
0x95: {  	_ =	swait.eq [sflag:s6], $0x1  }
0x96: {  	s16 =	sld [smem:$0x10]  }
0x97: {  	s17 =	sld [smem:$0x11];
	[sflag:s6] =	ssyncset.done $0x0  }
0x98: {  	s8 =	sld [smem:$0x12];
	[sflag:s6] =	ssyncadd.s32 $0xFFFFFFFF  }
0x99: {  	s18 =	sld [smem:$0x13];
	(tm) =	ssettm $0x1  }
0x9a: {  	s9 =	sld [smem:$0x3FFB];
	_ =	sdelay $0x3  }
0x9b: {  	_ =	strace s9  }
0x9c: {  	s9 =	sld [smem:$0x3FFC];
	_ =	sdelay $0x3  }
0x9d: {  	_ =	strace s9  }
0x9e: {  	s9 =	sld [smem:$0x3FFD];
	_ =	sdelay $0x3  }
0x9f: {  	_ =	strace s9  }
0xa0: {  	_ =	strace $0x8FFFFFFF  }
0xa1: {  	s19 =	sld [smem:$0x3FDB];
	_ =	sdelay $0x1  }
0xa2: {  	s10 =	simm.s32 $_scs_section_size  }
0xa3: {  	s11 =	simm.s32 $_size__tile_overlayer_lowered;
	s12 =	simm.s32 $_tile_overlayer_lowered  }
0xa4: {  	s22 =	simm.s32 $0x1BFF;
	s21 =	sshll.u32 s12, $0x1;
	s9 =	sadd.s32 s10, s19  }
0xa5: {  	s13 =	simm.s32 $0x0;
	s20 =	sshll.u32 s11, $0x1;
	s11 =	sadd.s32 s21, s9  }
0xa6: {  	[timem:s13], [sflag:s22] =	dma.local [hbm:s11], s20  }
0xa7: {  	_ =	swait.ge [sflag:s22], s20  }
0xa8: {  	s10 =	ssub.s32 $0x0, s20;
	[sflag:s22] =	ssyncset.done $0x0  }
0xa9: {  	[sflag:s22] =	ssyncadd.s32 s10;
	_ =	sdelay $0x1  }
0xaa: {  	s23 =	simm.s32 $0x1B8B  }
0xab: {  	_ =	swait.ge [sflag:s23], $0x1  }
0xac: {  	[sflag:s23] =	ssyncset.done $0x0  }
0xad: {  	s25 =	simm.s32 $0x1B8E;
	s24 =	sld [smem:$0x3FFE];
	[sflag:s23] =	ssyncadd.s32 $0xFFFFFFFF  }
0xae: {  	s26 =	simm.s32 $execute0_lowered;
	[smem:$0x3FD2] =	sst s25  }
0xaf: {  	s11 =	sshll.u32 s26, $0x1;
	_ =	strace $0x80000046;
	[dreg:$0x1] =	wrdreg $0xFFFFFFFF  }
0xb0: {  	s28 =	simm.s32 $_size_execute0_lowered;
	s9 =	sadd.s32 s9, s11;
	[dreg:$0x0] =	wrdreg $0x0  }
0xb1: {  	s11 =	sshll.u32 s28, $0x1;
	[dreg:$0x2] =	wrdreg s9  }
0xb2: {  	[dreg:$0x3] =	wrdreg s11  }
0xb3: {  	[dreg:$0x4] =	wrdreg $0xC0  }
0xb4: {  	_ =	task [dreg:s13], $0x5FFFF  }
0xb5: {  	[dreg:$0x1] =	wrdreg $0xFFFFFFFF  }
0xb6: {  	[dreg:$0x0] =	wrdreg $0x60  }
0xb7: {  	[dreg:$0x2] =	wrdreg s24  }
0xb8: {  	[dreg:$0x3] =	wrdreg s15  }
0xb9: {  	[dreg:$0x4] =	wrdreg s4  }
0xba: {  	[dreg:$0x5] =	wrdreg s5  }
0xbb: {  	[dreg:$0x6] =	wrdreg s16  }
0xbc: {  	[dreg:$0x7] =	wrdreg s17  }
0xbd: {  	[dreg:$0x8] =	wrdreg s8  }
0xbe: {  	[dreg:$0x9] =	wrdreg s18  }
0xbf: {  	[dreg:$0xa] =	wrdreg $0x15B600  }
0xc0: {  	[dreg:$0xb] =	wrdreg $0x9  }
0xc1: {  	_ =	task.clear_ibuf [dreg:s13], $0xCFFFF;
	_ =	strace $0x90000046  }
0xc2: {  	s29 =	simm.s32 $0x9;
	_ =	strace $0x80000048  }
0xc3: {  	_ =	swait.ge [sflag:s29], $0x1  }
0xc4: {  	[sflag:s29] =	ssyncadd.s32 $0xFFFFFFFF  }
0xc5: {  	_ =	strace $0x90000048  }
0xc6: {  	_ =	sfence  }
0xc7: {  	s30 =	sld [smem:$0x0];
	_ =	sdelay $0x2  }
0xc8: {  	s31 =	sshll.u32 s1, $0xD;
	s1 =	sshrl.u32 s1, $0x2  }
0xc9: {  	s3 =	sand.u32 $0x4000, s31;
	s1 =	sadd.s32 s1, s30  }
0xca: {  	s0 =	sor.u32 s3, s0;
	s1 =	sshll.u32 s1, $0x11  }
0xcb: {  	s0 =	sor.u32 s1, s0  }
0xcc: {  	s0 =	sadd.s32 $0x8F2B, s0  }
0xcd: {  	[sflag:s0] =	ssyncadd.remote.s32 $0x1  }
0xce: {  	_ =	sfence.sel $0xFFFF  }
0xcf: {  	[dreg:$0x0] =	wrdreg $0xFFFFFFFF;
	(pc) =	sbr.abs _section_cstart, $3  }
0xd0: {  	[dreg:$0x1] =	wrdreg $0xFFFFFFFF  }
0xd1: {  	_ =	task.clear_ibuf [dreg:s13], $0x2FFFF;
	_ =	strace $0x9FFFFFFF  }
0xd2: {  	(tm) =	ssettm $0x7FFFFFFF  }
0xd3: {  	_ =	shalt  }
tec
execute0_lowered:
.L_overlay_start_1:
0x0: {  	(tag) =	ssettag $0x1  }
0x1: {  	s2 =	rddreg [dreg:$0x0]  }
0x2: {  	s1 =	rddreg [dreg:$0x2]  }
0x3: {  	s3 =	rddreg [dreg:$0x3]  }
0x4: {  	s8 =	rddreg [dreg:$0x4]  }
0x5: {  	s11 =	rddreg [dreg:$0x5]  }
0x6: {  	s4 =	rddreg [dreg:$0x6]  }
0x7: {  	s5 =	rddreg [dreg:$0x7]  }
0x8: {  	s6 =	rddreg [dreg:$0x8];
	s7 =	simm.s32 $0x0  }
0x9: {  	s12 =	srdreg.scid;
	s28 =	simm.s32 $0x190;
	s29 =	simm.s32 $0x2990  }
0xa: {  	s30 =	simm.s32 $0x2;
	s31 =	simm.s32 $0xC990;
	[smem:$0x7FF] =	sst s7  }
0xb: {  	s9 =	sadd.s32 $0x1800, s2;
	s10 =	sadd.s32 $0x28A00, s2;
	s12 =	sand.u32 $0x1, s12  }
0xc: {  	s0 =	sadd.s32 $0x1400, s2;
	s2 =	sadd.s32 $0x1600, s2;
	_ =	strace $0x80000047  }
0xd: {  	[dreg:$0xa] =	wrdreg s0;
	s0 =	stileid.u32;
	s13 =	ssub.s32 $0x2, s12  }
0xe: {  	s15 =	sshll.u32 s12, $0x4;
	[dreg:$0xb] =	wrdreg s2;
	s18 =	sshll.u32 s12, $0x13  }
0xf: {  	s12 =	sshll.u32 s12, $0xC;
	s14 =	sshrl.u32 s13, $0x1;
	s16 =	smul.u32 $0x23000, s0  }
0x10: {  	s26 =	sor.u32 s0, s15;
	s19 =	sshll.u32 s0, $0xF;
	s21 =	sshll.u32 s0, $0x9  }
0x11: {  	s23 =	sshll.u32 s0, $0xC;
	p0 =	sgt.u32 s0, $0x7;
	s2 =	ssub.s32 s13, s14  }
0x12: {  	s15 =	sor.u32 s19, s18;
	s22 =	sadd.s32 s11, s21;
	s24 =	sadd.s32 s19, s6  }
0x13: {  	s25 =	sadd.s32 s23, s6;
	s19 =	simm.s32 $0x3;
	s18 =	simm.s32 $0x7990  }
0x14: {  	s21 =	simm.s32 $0xF0;
	s17 =	sshrl.u32 s16, $0x2;
	s2 =	smax.u32 s2, $0x1  }
0x15: {  	s20 =	sshrl.u32 s15, $0x3;
	s14 =	sadd.s32 s17, s6;
	[dreg:$0xf] =	wrdreg s2  }
0x16: {  	s8 =	sadd.s32 s8, s20;
	s20 =	simm.s32 $0xCF10;
	[dreg:$0xc] =	wrdreg s14  }
0x17: {  	s2 =	simm.s32 $0xA190;
	s14 =	smul.u32 $0x2710, s26;
	[dreg:$0xd] =	wrdreg s8  }
0x18: {  	s8 =	sadd.s32 s12, s22;
	s22 =	simm.s32 $0x50;
	s26 =	sshrl.u32 s24, $0x3  }
0x19: {  	v0 =	vmov s12;
	s12 =	simm.s32 $0x0;
	[dreg:$0xe] =	wrdreg s8;
	s8 =	sadd.s32 $0x80000, s25  }
0x1a: {  	[dreg:$0x10] =	wrdreg s26;
	s25 =	simm.s32 $0xA0;
	s0 =	sshrl.u32 @!p0 s8, $0x3  }
0x1b: {  	v1 =	vimm.f32 $0.0e+00;
	v2 =	vlaneseq.u32;
	s26 =	simm.s32 $0x1;
	s8 =	simm.s32 $0x140;
	[dreg:$0x11] =	wrdreg s0  }
.LBB2_1:
0x1c: {  	[dreg:$0x12] =	wrdreg s12  }
0x1d: {  	s0 =	rddreg [dreg:$0xa];
	s11 =	simm.s32 $0xCE90  }
0x1e: {  	[tilespmem:s11], [sflag:$0x3] =	stream.linear.gather [hbm4b:s0+s7], $0x80, $0x38;
	[tilespmem:$0x1E760] =	vst v63  }
0x1f: {  	_ =	swait.ge [sflag:s19], $0x80  }
0x20: {  	[sflag:s19] =	ssyncset.done $0x0  }
0x21: {  	s24 =	rddreg [dreg:$0xb];
	[sflag:s19] =	ssyncadd.s32 $0xFFFFFF80  }
0x22: {  	[tilespmem:s20], [sflag:$0x3] =	stream.linear.gather [hbm4b:s24+s7], $0x50, $0x38;
	[tilespmem:$0x1E760] =	vst v63  }
0x23: {  	_ =	swait.ge [sflag:s19], $0x50  }
0x24: {  	[sflag:s19] =	ssyncset.done $0x0  }
0x25: {  	s12 =	simm.s32 $0x0;
	s13 =	simm.s32 $0x200;
	[sflag:s19] =	ssyncadd.s32 $0xFFFFFFB0  }
.LBB2_2:
0x26: {  	p1 =	sne.s32 s13, $0x22E00;
	[tilespmem:s12+$0xCFD0] =	vst v1  }
0x27: {  	[tilespmem:s12+$0xCF60] =	vst v1  }
0x28: {  	[tilespmem:s12+$0xCF70] =	vst v1  }
.Ltmp0:
0x29: {  	[tilespmem:s12+$0xCF80] =	vst v1;
	(pc) =	sbr.rel @p1 .LBB2_2-.Ltmp0, $4  }
0x2a: {  	[tilespmem:s12+$0xCF90] =	vst v1  }
0x2b: {  	[tilespmem:s12+$0xCFA0] =	vst v1  }
0x2c: {  	[tilespmem:s12+$0xCFB0] =	vst v1  }
0x2d: {  	[tilespmem:s12+$0xCFC0] =	vst v1;
	s12 =	sshra.s32 s13, $0x2;
	s13 =	sadd.s32 $0x200, s13  }
0x2e: {  	[tilespmem:s12+$0xCFD0] =	vst v1  }
0x2f: {  	[tilespmem:s12+$0xCF60] =	vst v1  }
0x30: {  	[tilespmem:s12+$0xCF70] =	vst v1  }
0x31: {  	[tilespmem:s12+$0xCF80] =	vst v1  }
0x32: {  	[tilespmem:s12+$0xCF90] =	vst v1  }
0x33: {  	[tilespmem:s12+$0xCFA0] =	vst v1  }
0x34: {  	[tilespmem:s12+$0xCFB0] =	vst v1  }
0x35: {  	[tilespmem:s12+$0xCFC0] =	vst v1;
	s0 =	rddreg [dreg:$0xc];
	s11 =	simm.s32 $0xCF60  }
0x36: {  	[spmem:s0] =	stream.linear.scatter [tilespmem:s11], [sflag:$0x3], $0x8C00, $0x38;
	[tilespmem:$0x1E760] =	vst v63  }
0x37: {  	_ =	swait.ge [sflag:s19], $0x8C00  }
0x38: {  	[sflag:s19] =	ssyncset.done $0x0  }
0x39: {  	[sflag:s19] =	ssyncadd.s32 $0xFFFF7400  }
0x3a: {  	s12 =	simm.s32 $0x0;
	s13 =	simm.s32 $0x0;
	[bflag:$0x0] =	sbarrier.arrive $0xFFFF  }
.LBB2_4:
0x3b: {  	s11 =	smul.u32 $0x50, s13;
	_ =	sdelay $0x1  }
0x3c: {  	s15 =	sadd.s32 s14, s11  }
0x3d: {  	s0 =	rddreg [dreg:$0x1];
	s11 =	sshrl.u32 s15, $0x3  }
0x3e: {  	s16 =	sadd.s32 s0, s11  }
0x3f: {  	[tilespmem:s12], [sflag:$0x1] =	stream.linear.gather [hbm4b:s16+s12], $0x50, $0x38;
	[tilespmem:$0x1E760] =	vst v63  }
0x40: {  	s24 =	sadd.s32 s1, s11  }
0x41: {  	[tilespmem:s22], [sflag:$0x1] =	stream.linear.gather [hbm4b:s24+s12], $0x50, $0x38;
	[tilespmem:$0x1E760] =	vst v63  }
0x42: {  	s11 =	sadd.s32 s3, s11  }
0x43: {  	[tilespmem:s25], [sflag:$0x1] =	stream.linear.gather [hbm4b:s11+s12], $0x50, $0x38;
	[tilespmem:$0x1E760] =	vst v63  }
0x44: {  	_ =	swait.ge [sflag:s26], $0x50  }
0x45: {  	[sflag:s26] =	ssyncset.done $0x0  }
0x46: {  	[sflag:s26] =	ssyncadd.s32 $0xFFFFFFB0  }
0x47: {  	_ =	swait.ge [sflag:s26], $0x50  }
0x48: {  	[sflag:s26] =	ssyncset.done $0x0  }
0x49: {  	[sflag:s26] =	ssyncadd.s32 $0xFFFFFFB0  }
0x4a: {  	_ =	swait.ge [sflag:s26], $0x50  }
0x4b: {  	[sflag:s26] =	ssyncset.done $0x0  }
0x4c: {  	[sflag:s26] =	ssyncadd.s32 $0xFFFFFFB0  }
0x4d: {  	[tilespmem:s28], [sflag:$0x1] =	stream.indirect.gather [hbm4b:s9+s22], $0x80, s12, s22, $0xb8;
	[tilespmem:$0x1E760] =	vst v63  }
0x4e: {  	_ = 	snop  }
0x4f: {  	[tilespmem:s29], [sflag:$0x2] =	stream.indirect.gather [hbm4b:s10+s22], $0x100, s22, s22, $0xb8;
	[tilespmem:$0x1E760] =	vst v63  }
0x50: {  	v3 =	vld [tilespmem:$0x0];
	_ =	sdelay $0x1  }
0x51: {  	v4 =	vld [tilespmem:$0x10];
	_ =	sdelay $0x1  }
0x52: {  	v5 =	vld [tilespmem:$0x20]  }
0x53: {  	v3 =	vsub.s32 v3, v0  }
0x54: {  	v7 =	vld [tilespmem:$0x30];
	vm0 =	vlt.u32 v3, $0x1000;
	v6 =	vshrl.u32 v3, $0x4  }
0x55: {  	v4 =	vsub.s32 v4, v0;
	v3 =	vnsel vm0, $0x1100, v3;
	v6 =	vadd.s32 $0x1000, v6  }
0x56: {  	v8 =	vld [tilespmem:$0x40];
	vm12 =	vlt.u32 v4, $0x1000;
	v41 =	vshrl.u32 v4, $0x4;
	[tilespmem:$0xF0] =	vst v3;
	v3 =	vnsel vm0, $0x1100, v6  }
0x57: {  	v5 =	vsub.s32 v5, v0;
	v42 =	vadd.s32 $0x1000, v41;
	[tilespmem:$0x140] =	vst v3;
	v3 =	vnsel vm12, $0x1100, v4  }
0x58: {  	vm13 =	vlt.u32 v5, $0x1000;
	v43 =	vshrl.u32 v5, $0x4;
	[tilespmem:$0x100] =	vst v3;
	v3 =	vnsel vm12, $0x1100, v42  }
0x59: {  	v44 =	vsub.s32 v7, v0;
	v4 =	vadd.s32 $0x1000, v43;
	[tilespmem:$0x150] =	vst v3;
	v3 =	vnsel vm13, $0x1100, v5  }
0x5a: {  	vm14 =	vlt.u32 v44, $0x1000;
	v45 =	vshrl.u32 v44, $0x4;
	[tilespmem:$0x110] =	vst v3;
	v3 =	vnsel vm13, $0x1100, v4  }
0x5b: {  	v46 =	vsub.s32 v8, v0;
	v4 =	vadd.s32 $0x1000, v45;
	[tilespmem:$0x160] =	vst v3;
	v3 =	vnsel vm14, $0x1100, v44  }
0x5c: {  	vm15 =	vlt.u32 v46, $0x1000;
	v47 =	vshrl.u32 v46, $0x4;
	[tilespmem:$0x120] =	vst v3;
	v3 =	vnsel vm14, $0x1100, v4  }
0x5d: {  	v4 =	vadd.s32 $0x1000, v47;
	[tilespmem:$0x170] =	vst v3;
	v3 =	vnsel vm15, $0x1100, v46  }
0x5e: {  	[tilespmem:$0x130] =	vst v3;
	v3 =	vnsel vm15, $0x1100, v4  }
0x5f: {  	[tilespmem:$0x180] =	vst v3  }
0x60: {  	_ =	swait.ge [sflag:s26], $0x2800  }
0x61: {  	[sflag:s26] =	ssyncset.done $0x0  }
0x62: {  	[sflag:s26] =	ssyncadd.s32 $0xFFFFD800  }
0x63: {  	_ =	swait.ge [sflag:s30], $0x5000  }
0x64: {  	[sflag:s30] =	ssyncset.done $0x0  }
0x65: {  	s16 =	simm.s32 $0x0;
	[sflag:s30] =	ssyncadd.s32 $0xFFFFB000  }
0x66: {  	s17 =	simm.s32 $0x29D0;
	v3 =	vld [tilespmem:s16+$0x190]  }
0x67: {  	v48 =	vld [tilespmem:s17+$0xFFFFFFC0];
	_ =	sdelay $0x4  }
0x68: {  	v49 =	vld [tilespmem:$0xCE90];
	v3 =	vadd.f32 v48, v3;
	_ =	sdelay $0x1  }
0x69: {  	v4 =	vmul.f32 $2.000000030e-01, v3;
	_ =	sdelay $0x1  }
0x6a: {  	v3 =	vmax.f32 v3, v4  }
0x6b: {  	v3 =	vmul.f32 v3, v49;
	_ =	sdelay $0x1  }
0x6c: {  	(xrf2) =	vadd.scan.msk.f32 $0xffff, v3;
	_ =	sdelay $0x9  }
0x6d: {  	[tilespmem:s16+$0xA190] =	vst v1;
	v3, _, _ =	vpop (xrf2)  }
0x6e: {  	[tilespmem:s16+$0x190] =	vst v3;
	v3 =	vld [tilespmem:s16+$0x1A0]  }
0x6f: {  	v50 =	vld [tilespmem:s17+$0xFFFFFFD0];
	_ =	sdelay $0x4  }
0x70: {  	v51 =	vld [tilespmem:$0xCEA0];
	v3 =	vadd.f32 v50, v3;
	_ =	sdelay $0x1  }
0x71: {  	v4 =	vmul.f32 $2.000000030e-01, v3;
	_ =	sdelay $0x1  }
0x72: {  	v3 =	vmax.f32 v3, v4  }
0x73: {  	v3 =	vmul.f32 v3, v51;
	_ =	sdelay $0x1  }
0x74: {  	(xrf2) =	vadd.scan.msk.f32 $0xffff, v3;
	_ =	sdelay $0x9  }
0x75: {  	[tilespmem:s16+$0xA1A0] =	vst v1;
	v3, _, _ =	vpop (xrf2)  }
0x76: {  	[tilespmem:s16+$0x1A0] =	vst v3;
	v3 =	vld [tilespmem:s16+$0x1B0]  }
0x77: {  	v52 =	vld [tilespmem:s17+$0xFFFFFFE0];
	_ =	sdelay $0x4  }
0x78: {  	v53 =	vld [tilespmem:$0xCEB0];
	v3 =	vadd.f32 v52, v3;
	_ =	sdelay $0x1  }
0x79: {  	v4 =	vmul.f32 $2.000000030e-01, v3;
	_ =	sdelay $0x1  }
0x7a: {  	v3 =	vmax.f32 v3, v4  }
0x7b: {  	v3 =	vmul.f32 v3, v53;
	_ =	sdelay $0x1  }
0x7c: {  	(xrf2) =	vadd.scan.msk.f32 $0xffff, v3;
	_ =	sdelay $0x9  }
0x7d: {  	[tilespmem:s16+$0xA1B0] =	vst v1;
	v3, _, _ =	vpop (xrf2)  }
0x7e: {  	[tilespmem:s16+$0x1B0] =	vst v3;
	v3 =	vld [tilespmem:s16+$0x1C0]  }
0x7f: {  	v54 =	vld [tilespmem:s17+$0xFFFFFFF0];
	_ =	sdelay $0x4  }
0x80: {  	v55 =	vld [tilespmem:$0xCEC0];
	v3 =	vadd.f32 v54, v3;
	_ =	sdelay $0x1  }
0x81: {  	v4 =	vmul.f32 $2.000000030e-01, v3;
	_ =	sdelay $0x1  }
0x82: {  	v3 =	vmax.f32 v3, v4  }
0x83: {  	v3 =	vmul.f32 v3, v55;
	_ =	sdelay $0x1  }
0x84: {  	(xrf2) =	vadd.scan.msk.f32 $0xffff, v3;
	_ =	sdelay $0x9  }
0x85: {  	[tilespmem:s16+$0xA1C0] =	vst v1;
	v3, _, _ =	vpop (xrf2)  }
0x86: {  	[tilespmem:s16+$0x1C0] =	vst v3;
	v3 =	vld [tilespmem:s16+$0x1D0]  }
0x87: {  	v56 =	vld [tilespmem:s17+$0x0];
	_ =	sdelay $0x4  }
0x88: {  	v57 =	vld [tilespmem:$0xCED0];
	v3 =	vadd.f32 v56, v3;
	_ =	sdelay $0x1  }
0x89: {  	v4 =	vmul.f32 $2.000000030e-01, v3;
	_ =	sdelay $0x1  }
0x8a: {  	v3 =	vmax.f32 v3, v4  }
0x8b: {  	v3 =	vmul.f32 v3, v57;
	_ =	sdelay $0x1  }
0x8c: {  	(xrf2) =	vadd.scan.msk.f32 $0xffff, v3;
	_ =	sdelay $0x9  }
0x8d: {  	[tilespmem:s16+$0xA1D0] =	vst v1;
	v3, _, _ =	vpop (xrf2)  }
0x8e: {  	[tilespmem:s16+$0x1D0] =	vst v3;
	v3 =	vld [tilespmem:s16+$0x1E0]  }
0x8f: {  	v58 =	vld [tilespmem:s17+$0x10];
	_ =	sdelay $0x4  }
0x90: {  	v59 =	vld [tilespmem:$0xCEE0];
	v3 =	vadd.f32 v58, v3;
	_ =	sdelay $0x1  }
0x91: {  	v4 =	vmul.f32 $2.000000030e-01, v3;
	_ =	sdelay $0x1  }
0x92: {  	v3 =	vmax.f32 v3, v4  }
0x93: {  	v3 =	vmul.f32 v3, v59;
	_ =	sdelay $0x1  }
0x94: {  	(xrf2) =	vadd.scan.msk.f32 $0xffff, v3;
	_ =	sdelay $0x9  }
0x95: {  	[tilespmem:s16+$0xA1E0] =	vst v1;
	v3, _, _ =	vpop (xrf2)  }
0x96: {  	[tilespmem:s16+$0x1E0] =	vst v3;
	v3 =	vld [tilespmem:s16+$0x1F0]  }
0x97: {  	v60 =	vld [tilespmem:s17+$0x20];
	_ =	sdelay $0x4  }
0x98: {  	v61 =	vld [tilespmem:$0xCEF0];
	v3 =	vadd.f32 v60, v3;
	_ =	sdelay $0x1  }
0x99: {  	v4 =	vmul.f32 $2.000000030e-01, v3;
	_ =	sdelay $0x1  }
0x9a: {  	v3 =	vmax.f32 v3, v4  }
0x9b: {  	v3 =	vmul.f32 v3, v61;
	_ =	sdelay $0x1  }
0x9c: {  	(xrf2) =	vadd.scan.msk.f32 $0xffff, v3;
	_ =	sdelay $0x9  }
0x9d: {  	[tilespmem:s16+$0xA1F0] =	vst v1;
	v3, _, _ =	vpop (xrf2)  }
0x9e: {  	[tilespmem:s16+$0x1F0] =	vst v3;
	v3 =	vld [tilespmem:s16+$0x200]  }
0x9f: {  	v62 =	vld [tilespmem:s17+$0x30];
	_ =	sdelay $0x4  }
0xa0: {  	v63 =	vld [tilespmem:$0xCF00];
	v3 =	vadd.f32 v62, v3;
	_ =	sdelay $0x1  }
0xa1: {  	v4 =	vmul.f32 $2.000000030e-01, v3;
	_ =	sdelay $0x1  }
0xa2: {  	v3 =	vmax.f32 v3, v4  }
0xa3: {  	v3 =	vmul.f32 v3, v63;
	_ =	sdelay $0x1  }
0xa4: {  	s23 =	simm.s32 $0x200;
	s11 =	simm.s32 $0x400;
	[tilespmem:s16+$0xA200] =	vst v1;
	(xrf2) =	vadd.scan.msk.f32 $0xffff, v3  }
.LBB2_5:
0xa5: {  	_ =	sdelay $0x7  }
0xa6: {  	s0 =	sshra.s32 s23, $0x2  }
0xa7: {  	s17 =	sadd.s32 $0x100, s17;
	s23 =	smov.u32 s11;
	s24 =	sadd.s32 $0x200, s11;
	v3, _, _ =	vpop (xrf2)  }
0xa8: {  	p1 =	sne.s32 s11, $0x9E00;
	v4 =	vld [tilespmem:s0+$0x190];
	[tilespmem:s16+$0x200] =	vst v3;
	s16 =	smov.u32 s0  }
0xa9: {  	v3 =	vld [tilespmem:s17+$0xFFFFFFC0];
	_ =	sdelay $0x3  }
0xaa: {  	v5 =	vld [tilespmem:$0xCE90]  }
0xab: {  	v3 =	vadd.f32 v3, v4;
	_ =	sdelay $0x1  }
0xac: {  	v4 =	vmul.f32 $2.000000030e-01, v3;
	_ =	sdelay $0x1  }
0xad: {  	v3 =	vmax.f32 v3, v4  }
0xae: {  	v3 =	vmul.f32 v3, v5;
	_ =	sdelay $0x1  }
0xaf: {  	(xrf2) =	vadd.scan.msk.f32 $0xffff, v3;
	_ =	sdelay $0x9  }
0xb0: {  	[tilespmem:s16+$0xA190] =	vst v1;
	v3, _, _ =	vpop (xrf2)  }
0xb1: {  	[tilespmem:s16+$0x190] =	vst v3;
	v3 =	vld [tilespmem:s16+$0x1A0]  }
0xb2: {  	v4 =	vld [tilespmem:s17+$0xFFFFFFD0];
	_ =	sdelay $0x3  }
0xb3: {  	v5 =	vld [tilespmem:$0xCEA0]  }
0xb4: {  	v3 =	vadd.f32 v4, v3;
	_ =	sdelay $0x1  }
0xb5: {  	v4 =	vmul.f32 $2.000000030e-01, v3;
	_ =	sdelay $0x1  }
0xb6: {  	v3 =	vmax.f32 v3, v4  }
0xb7: {  	v3 =	vmul.f32 v3, v5;
	_ =	sdelay $0x1  }
0xb8: {  	(xrf2) =	vadd.scan.msk.f32 $0xffff, v3;
	_ =	sdelay $0x9  }
0xb9: {  	[tilespmem:s16+$0xA1A0] =	vst v1;
	v3, _, _ =	vpop (xrf2)  }
0xba: {  	[tilespmem:s16+$0x1A0] =	vst v3;
	v3 =	vld [tilespmem:s16+$0x1B0]  }
0xbb: {  	v4 =	vld [tilespmem:s17+$0xFFFFFFE0];
	_ =	sdelay $0x3  }
0xbc: {  	v5 =	vld [tilespmem:$0xCEB0]  }
0xbd: {  	v3 =	vadd.f32 v4, v3;
	_ =	sdelay $0x1  }
0xbe: {  	v4 =	vmul.f32 $2.000000030e-01, v3;
	_ =	sdelay $0x1  }
0xbf: {  	v3 =	vmax.f32 v3, v4  }
0xc0: {  	v3 =	vmul.f32 v3, v5;
	_ =	sdelay $0x1  }
0xc1: {  	(xrf2) =	vadd.scan.msk.f32 $0xffff, v3;
	_ =	sdelay $0x9  }
0xc2: {  	[tilespmem:s16+$0xA1B0] =	vst v1;
	v3, _, _ =	vpop (xrf2)  }
0xc3: {  	[tilespmem:s16+$0x1B0] =	vst v3;
	v3 =	vld [tilespmem:s16+$0x1C0]  }
0xc4: {  	v4 =	vld [tilespmem:s17+$0xFFFFFFF0];
	_ =	sdelay $0x3  }
0xc5: {  	v5 =	vld [tilespmem:$0xCEC0]  }
0xc6: {  	v3 =	vadd.f32 v4, v3;
	[tilespmem:s16+$0xA1C0] =	vst v1;
	_ =	sdelay $0x1  }
0xc7: {  	v4 =	vmul.f32 $2.000000030e-01, v3;
	_ =	sdelay $0x1  }
0xc8: {  	v3 =	vmax.f32 v3, v4  }
0xc9: {  	v3 =	vmul.f32 v3, v5;
	_ =	sdelay $0x1  }
0xca: {  	(xrf2) =	vadd.scan.msk.f32 $0xffff, v3;
	_ =	sdelay $0x9  }
0xcb: {  	v3, _, _ =	vpop (xrf2)  }
0xcc: {  	[tilespmem:s16+$0x1C0] =	vst v3;
	v3 =	vld [tilespmem:s16+$0x1D0]  }
0xcd: {  	v4 =	vld [tilespmem:s17+$0x0];
	_ =	sdelay $0x3  }
0xce: {  	v5 =	vld [tilespmem:$0xCED0]  }
0xcf: {  	v3 =	vadd.f32 v4, v3;
	[tilespmem:s16+$0xA1D0] =	vst v1;
	_ =	sdelay $0x1  }
0xd0: {  	v4 =	vmul.f32 $2.000000030e-01, v3;
	_ =	sdelay $0x1  }
0xd1: {  	v3 =	vmax.f32 v3, v4  }
0xd2: {  	v3 =	vmul.f32 v3, v5;
	_ =	sdelay $0x1  }
0xd3: {  	(xrf2) =	vadd.scan.msk.f32 $0xffff, v3;
	_ =	sdelay $0x9  }
0xd4: {  	v3, _, _ =	vpop (xrf2)  }
0xd5: {  	[tilespmem:s16+$0x1D0] =	vst v3;
	v3 =	vld [tilespmem:s16+$0x1E0]  }
0xd6: {  	v4 =	vld [tilespmem:s17+$0x10]  }
0xd7: {  	v5 =	vld [tilespmem:$0xCEE0]  }
0xd8: {  	[tilespmem:s16+$0xA1E0] =	vst v1;
	_ =	sdelay $0x2  }
0xd9: {  	v3 =	vadd.f32 v4, v3;
	_ =	sdelay $0x1  }
0xda: {  	v4 =	vmul.f32 $2.000000030e-01, v3;
	_ =	sdelay $0x1  }
0xdb: {  	v3 =	vmax.f32 v3, v4  }
0xdc: {  	v3 =	vmul.f32 v3, v5;
	_ =	sdelay $0x1  }
0xdd: {  	(xrf2) =	vadd.scan.msk.f32 $0xffff, v3;
	_ =	sdelay $0x9  }
0xde: {  	v3, _, _ =	vpop (xrf2)  }
0xdf: {  	[tilespmem:s16+$0x1E0] =	vst v3;
	v3 =	vld [tilespmem:s16+$0x1F0]  }
0xe0: {  	v4 =	vld [tilespmem:s17+$0x20]  }
0xe1: {  	v5 =	vld [tilespmem:$0xCEF0]  }
0xe2: {  	[tilespmem:s16+$0xA1F0] =	vst v1;
	_ =	sdelay $0x2  }
0xe3: {  	v3 =	vadd.f32 v4, v3;
	_ =	sdelay $0x1  }
0xe4: {  	v4 =	vmul.f32 $2.000000030e-01, v3;
	_ =	sdelay $0x1  }
0xe5: {  	v3 =	vmax.f32 v3, v4  }
0xe6: {  	v3 =	vmul.f32 v3, v5;
	_ =	sdelay $0x1  }
0xe7: {  	(xrf2) =	vadd.scan.msk.f32 $0xffff, v3;
	_ =	sdelay $0x9  }
0xe8: {  	v3, _, _ =	vpop (xrf2)  }
0xe9: {  	[tilespmem:s16+$0x1F0] =	vst v3;
	v3 =	vld [tilespmem:s16+$0x200]  }
0xea: {  	v4 =	vld [tilespmem:s17+$0x30]  }
0xeb: {  	v5 =	vld [tilespmem:$0xCF00]  }
0xec: {  	[tilespmem:s16+$0xA200] =	vst v1;
	_ =	sdelay $0x2  }
0xed: {  	v3 =	vadd.f32 v4, v3;
	_ =	sdelay $0x1  }
0xee: {  	v4 =	vmul.f32 $2.000000030e-01, v3  }
.Ltmp1:
0xef: {  	(pc) =	sbr.rel @p1 .LBB2_5-.Ltmp1, $3  }
0xf0: {  	v3 =	vmax.f32 v3, v4  }
0xf1: {  	v3 =	vmul.f32 v3, v5;
	_ =	sdelay $0x1  }
0xf2: {  	s11 =	smov.u32 s24;
	(xrf2) =	vadd.scan.msk.f32 $0xffff, v3  }
0xf3: {  	_ =	sdelay $0x8  }
0xf4: {  	s23 =	sshra.s32 s23, $0x2;
	v3, _, _ =	vpop (xrf2)  }
0xf5: {  	s17 =	sadd.s32 $0x100, s17;
	v4 =	vld [tilespmem:s23+$0x190];
	[tilespmem:s16+$0x200] =	vst v3  }
0xf6: {  	v3 =	vld [tilespmem:s17+$0xFFFFFFC0];
	_ =	sdelay $0x4  }
0xf7: {  	v5 =	vld [tilespmem:$0xCE90];
	v3 =	vadd.f32 v3, v4;
	_ =	sdelay $0x1  }
0xf8: {  	v4 =	vmul.f32 $2.000000030e-01, v3;
	_ =	sdelay $0x1  }
0xf9: {  	v3 =	vmax.f32 v3, v4  }
0xfa: {  	v3 =	vmul.f32 v3, v5;
	_ =	sdelay $0x1  }
0xfb: {  	(xrf2) =	vadd.scan.msk.f32 $0xffff, v3;
	_ =	sdelay $0x9  }
0xfc: {  	[tilespmem:s23+$0xA190] =	vst v1;
	v3, _, _ =	vpop (xrf2)  }
0xfd: {  	[tilespmem:s23+$0x190] =	vst v3;
	v3 =	vld [tilespmem:s23+$0x1A0]  }
0xfe: {  	v50 =	vld [tilespmem:s17+$0xFFFFFFD0];
	_ =	sdelay $0x4  }
0xff: {  	v51 =	vld [tilespmem:$0xCEA0];
	v3 =	vadd.f32 v50, v3;
	_ =	sdelay $0x1  }
0x100: {  	v4 =	vmul.f32 $2.000000030e-01, v3;
	_ =	sdelay $0x1  }
0x101: {  	v3 =	vmax.f32 v3, v4  }
0x102: {  	v3 =	vmul.f32 v3, v51;
	_ =	sdelay $0x1  }
0x103: {  	(xrf2) =	vadd.scan.msk.f32 $0xffff, v3;
	_ =	sdelay $0x9  }
0x104: {  	[tilespmem:s23+$0xA1A0] =	vst v1;
	v3, _, _ =	vpop (xrf2)  }
0x105: {  	[tilespmem:s23+$0x1A0] =	vst v3;
	v3 =	vld [tilespmem:s23+$0x1B0]  }
0x106: {  	v52 =	vld [tilespmem:s17+$0xFFFFFFE0];
	_ =	sdelay $0x4  }
0x107: {  	v53 =	vld [tilespmem:$0xCEB0];
	v3 =	vadd.f32 v52, v3;
	_ =	sdelay $0x1  }
0x108: {  	v4 =	vmul.f32 $2.000000030e-01, v3;
	_ =	sdelay $0x1  }
0x109: {  	v3 =	vmax.f32 v3, v4  }
0x10a: {  	v3 =	vmul.f32 v3, v53;
	_ =	sdelay $0x1  }
0x10b: {  	(xrf2) =	vadd.scan.msk.f32 $0xffff, v3;
	_ =	sdelay $0x9  }
0x10c: {  	[tilespmem:s23+$0xA1B0] =	vst v1;
	v3, _, _ =	vpop (xrf2)  }
0x10d: {  	[tilespmem:s23+$0x1B0] =	vst v3;
	v3 =	vld [tilespmem:s23+$0x1C0]  }
0x10e: {  	v54 =	vld [tilespmem:s17+$0xFFFFFFF0];
	_ =	sdelay $0x4  }
0x10f: {  	v55 =	vld [tilespmem:$0xCEC0];
	v3 =	vadd.f32 v54, v3;
	_ =	sdelay $0x1  }
0x110: {  	v4 =	vmul.f32 $2.000000030e-01, v3;
	_ =	sdelay $0x1  }
0x111: {  	v3 =	vmax.f32 v3, v4  }
0x112: {  	v3 =	vmul.f32 v3, v55;
	_ =	sdelay $0x1  }
0x113: {  	(xrf2) =	vadd.scan.msk.f32 $0xffff, v3;
	_ =	sdelay $0x9  }
0x114: {  	[tilespmem:s23+$0xA1C0] =	vst v1;
	v3, _, _ =	vpop (xrf2)  }
0x115: {  	[tilespmem:s23+$0x1C0] =	vst v3;
	v3 =	vld [tilespmem:s23+$0x1D0]  }
0x116: {  	v56 =	vld [tilespmem:s17+$0x0];
	_ =	sdelay $0x4  }
0x117: {  	v57 =	vld [tilespmem:$0xCED0];
	v3 =	vadd.f32 v56, v3;
	_ =	sdelay $0x1  }
0x118: {  	v4 =	vmul.f32 $2.000000030e-01, v3;
	_ =	sdelay $0x1  }
0x119: {  	v3 =	vmax.f32 v3, v4  }
0x11a: {  	v3 =	vmul.f32 v3, v57;
	_ =	sdelay $0x1  }
0x11b: {  	(xrf2) =	vadd.scan.msk.f32 $0xffff, v3;
	_ =	sdelay $0x9  }
0x11c: {  	[tilespmem:s23+$0xA1D0] =	vst v1;
	v3, _, _ =	vpop (xrf2)  }
0x11d: {  	[tilespmem:s23+$0x1D0] =	vst v3;
	v3 =	vld [tilespmem:s23+$0x1E0]  }
0x11e: {  	v58 =	vld [tilespmem:s17+$0x10];
	_ =	sdelay $0x4  }
0x11f: {  	v59 =	vld [tilespmem:$0xCEE0];
	v3 =	vadd.f32 v58, v3;
	_ =	sdelay $0x1  }
0x120: {  	v4 =	vmul.f32 $2.000000030e-01, v3;
	_ =	sdelay $0x1  }
0x121: {  	v3 =	vmax.f32 v3, v4  }
0x122: {  	v3 =	vmul.f32 v3, v59;
	_ =	sdelay $0x1  }
0x123: {  	(xrf2) =	vadd.scan.msk.f32 $0xffff, v3;
	_ =	sdelay $0x9  }
0x124: {  	[tilespmem:s23+$0xA1E0] =	vst v1;
	v3, _, _ =	vpop (xrf2)  }
0x125: {  	[tilespmem:s23+$0x1E0] =	vst v3;
	v3 =	vld [tilespmem:s23+$0x1F0]  }
0x126: {  	v60 =	vld [tilespmem:s17+$0x20];
	_ =	sdelay $0x4  }
0x127: {  	v61 =	vld [tilespmem:$0xCEF0];
	v3 =	vadd.f32 v60, v3;
	_ =	sdelay $0x1  }
0x128: {  	v4 =	vmul.f32 $2.000000030e-01, v3;
	_ =	sdelay $0x1  }
0x129: {  	v3 =	vmax.f32 v3, v4  }
0x12a: {  	v3 =	vmul.f32 v3, v61;
	_ =	sdelay $0x1  }
0x12b: {  	(xrf2) =	vadd.scan.msk.f32 $0xffff, v3;
	_ =	sdelay $0x9  }
0x12c: {  	[tilespmem:s23+$0xA1F0] =	vst v1;
	v3, _, _ =	vpop (xrf2)  }
0x12d: {  	[tilespmem:s23+$0x1F0] =	vst v3;
	v3 =	vld [tilespmem:s23+$0x200]  }
0x12e: {  	v62 =	vld [tilespmem:s17+$0x30];
	_ =	sdelay $0x4  }
0x12f: {  	v63 =	vld [tilespmem:$0xCF00];
	v3 =	vadd.f32 v62, v3;
	_ =	sdelay $0x1  }
0x130: {  	v4 =	vmul.f32 $2.000000030e-01, v3;
	_ =	sdelay $0x1  }
0x131: {  	v3 =	vmax.f32 v3, v4  }
0x132: {  	v3 =	vmul.f32 v3, v63;
	_ =	sdelay $0x1  }
0x133: {  	(xrf2) =	vadd.scan.msk.f32 $0xffff, v3;
	_ =	sdelay $0x9  }
0x134: {  	[tilespmem:s23+$0xA200] =	vst v1;
	v3, _, _ =	vpop (xrf2)  }
0x135: {  	s16 =	simm.s32 $0x0;
	s17 =	simm.s32 $0xA0;
	[tilespmem:s23+$0x200] =	vst v3;
	s23 =	simm.s32 $0x0  }
.LBB2_7:
0x136: {  	v3 =	vld [tilespmem:s17+$0x0];
	_ =	sdelay $0x1  }
0x137: {  	v4 =	vor.u32 s23, v2  }
0x138: {  	v5 =	vshll.u32 v4, $0x7  }
0x139: {  	v6 =	vor.u32 $0xF, v5  }
0x13a: {  	v3 =	vshll.u32 v3, $0x3;
	_ =	sdelay $0x3  }
0x13b: {  	v6 =	vld.idx.msk [tilespmem:v6+s28+$0x0], $0xffff  }
0x13c: {  	v7 =	vld.idx.msk [tilespmem:v3+s20+$0x0], $0xffff;
	_ =	sdelay $0x4  }
0x13d: {  	v6 =	vadd.f32 v7, v6;
	_ =	sdelay $0x1  }
0x13e: {  	v6 =	vmul.f32 $1.442695020e+00, v6  }
0x13f: {  	v33 =	vld [tilespmem:s16+$0x0]  }
0x140: {  	(erf) = vpow2.f32 v6;
	_ =	sdelay $0x3  }
0x141: {  	v34 =	vshll.u32 v33, $0x3  }
0x142: {  	v4 =	vshll.u32 v4, $0x4;
	v6 =	vand.u32 $0x78, v34  }
0x143: {  	v6 =	vor.u32 v5, v6  }
0x144: {  	v35 =	vor.u32 $0x1F, v5  }
0x145: {  	v8 =	vor.u32 $0x1, v3  }
0x146: {  	v9 =	vpop (erf)  }
0x147: {  	[tilespmem:v4+s31+$0x0] =	vst.idx.msk $0xffff, v9  }
0x148: {  	[tilespmem:v6+s2+$0x0] =	vst.idx.msk $0xffff, v9  }
0x149: {  	v7 =	vld.idx.msk [tilespmem:v35+s28+$0x0], $0xffff  }
0x14a: {  	v8 =	vld.idx.msk [tilespmem:v8+s20+$0x0], $0xffff;
	_ =	sdelay $0x4  }
0x14b: {  	v7 =	vadd.f32 v8, v7;
	_ =	sdelay $0x1  }
0x14c: {  	v7 =	vmul.f32 $1.442695020e+00, v7;
	_ =	sdelay $0x1  }
0x14d: {  	(erf) = vpow2.f32 v7;
	_ =	sdelay $0x4  }
0x14e: {  	v36 =	vor.u32 $0x1, v4  }
0x14f: {  	v37 =	vor.u32 $0x1, v6  }
0x150: {  	v38 =	vor.u32 $0x2F, v5  }
0x151: {  	v10 =	vor.u32 $0x2, v3  }
0x152: {  	v11 =	vpop (erf)  }
0x153: {  	[tilespmem:v36+s31+$0x0] =	vst.idx.msk $0xffff, v11  }
0x154: {  	[tilespmem:v37+s2+$0x0] =	vst.idx.msk $0xffff, v11  }
0x155: {  	v7 =	vld.idx.msk [tilespmem:v38+s28+$0x0], $0xffff  }
0x156: {  	v8 =	vld.idx.msk [tilespmem:v10+s20+$0x0], $0xffff;
	_ =	sdelay $0x4  }
0x157: {  	v7 =	vadd.f32 v8, v7;
	_ =	sdelay $0x1  }
0x158: {  	v7 =	vmul.f32 $1.442695020e+00, v7;
	_ =	sdelay $0x1  }
0x159: {  	(erf) = vpow2.f32 v7;
	_ =	sdelay $0x4  }
0x15a: {  	v39 =	vor.u32 $0x2, v4  }
0x15b: {  	v40 =	vor.u32 $0x2, v6  }
0x15c: {  	v41 =	vor.u32 $0x3F, v5  }
0x15d: {  	v42 =	vor.u32 $0x3, v3  }
0x15e: {  	v43 =	vpop (erf)  }
0x15f: {  	[tilespmem:v39+s31+$0x0] =	vst.idx.msk $0xffff, v43  }
0x160: {  	[tilespmem:v40+s2+$0x0] =	vst.idx.msk $0xffff, v43  }
0x161: {  	v7 =	vld.idx.msk [tilespmem:v41+s28+$0x0], $0xffff  }
0x162: {  	v8 =	vld.idx.msk [tilespmem:v42+s20+$0x0], $0xffff;
	_ =	sdelay $0x4  }
0x163: {  	v7 =	vadd.f32 v8, v7;
	_ =	sdelay $0x1  }
0x164: {  	v7 =	vmul.f32 $1.442695020e+00, v7;
	_ =	sdelay $0x1  }
0x165: {  	(erf) = vpow2.f32 v7;
	_ =	sdelay $0x4  }
0x166: {  	v44 =	vor.u32 $0x3, v4  }
0x167: {  	v45 =	vor.u32 $0x3, v6  }
0x168: {  	v46 =	vor.u32 $0x4F, v5  }
0x169: {  	v47 =	vor.u32 $0x4, v3  }
0x16a: {  	v48 =	vpop (erf)  }
0x16b: {  	[tilespmem:v44+s31+$0x0] =	vst.idx.msk $0xffff, v48  }
0x16c: {  	[tilespmem:v45+s2+$0x0] =	vst.idx.msk $0xffff, v48  }
0x16d: {  	v7 =	vld.idx.msk [tilespmem:v46+s28+$0x0], $0xffff  }
0x16e: {  	v8 =	vld.idx.msk [tilespmem:v47+s20+$0x0], $0xffff;
	_ =	sdelay $0x4  }
0x16f: {  	v7 =	vadd.f32 v8, v7;
	_ =	sdelay $0x1  }
0x170: {  	v7 =	vmul.f32 $1.442695020e+00, v7;
	_ =	sdelay $0x1  }
0x171: {  	(erf) = vpow2.f32 v7;
	_ =	sdelay $0x4  }
0x172: {  	v49 =	vor.u32 $0x4, v4  }
0x173: {  	v50 =	vor.u32 $0x4, v6  }
0x174: {  	v51 =	vor.u32 $0x5F, v5  }
0x175: {  	v52 =	vor.u32 $0x5, v3  }
0x176: {  	v53 =	vpop (erf)  }
0x177: {  	[tilespmem:v49+s31+$0x0] =	vst.idx.msk $0xffff, v53  }
0x178: {  	[tilespmem:v50+s2+$0x0] =	vst.idx.msk $0xffff, v53  }
0x179: {  	v7 =	vld.idx.msk [tilespmem:v51+s28+$0x0], $0xffff  }
0x17a: {  	v8 =	vld.idx.msk [tilespmem:v52+s20+$0x0], $0xffff;
	_ =	sdelay $0x4  }
0x17b: {  	v7 =	vadd.f32 v8, v7;
	_ =	sdelay $0x1  }
0x17c: {  	v7 =	vmul.f32 $1.442695020e+00, v7;
	_ =	sdelay $0x1  }
0x17d: {  	(erf) = vpow2.f32 v7;
	_ =	sdelay $0x4  }
0x17e: {  	v54 =	vor.u32 $0x5, v4  }
0x17f: {  	v55 =	vor.u32 $0x5, v6  }
0x180: {  	v56 =	vor.u32 $0x6F, v5  }
0x181: {  	v57 =	vor.u32 $0x6, v3  }
0x182: {  	v58 =	vpop (erf)  }
0x183: {  	[tilespmem:v54+s31+$0x0] =	vst.idx.msk $0xffff, v58  }
0x184: {  	[tilespmem:v55+s2+$0x0] =	vst.idx.msk $0xffff, v58  }
0x185: {  	v7 =	vld.idx.msk [tilespmem:v56+s28+$0x0], $0xffff  }
0x186: {  	v8 =	vld.idx.msk [tilespmem:v57+s20+$0x0], $0xffff;
	_ =	sdelay $0x4  }
0x187: {  	v7 =	vadd.f32 v8, v7;
	_ =	sdelay $0x1  }
0x188: {  	v7 =	vmul.f32 $1.442695020e+00, v7;
	_ =	sdelay $0x1  }
0x189: {  	(erf) = vpow2.f32 v7;
	_ =	sdelay $0x4  }
0x18a: {  	v59 =	vor.u32 $0x6, v4  }
0x18b: {  	v60 =	vor.u32 $0x6, v6  }
0x18c: {  	v5 =	vor.u32 $0x7F, v5  }
0x18d: {  	v3 =	vor.u32 $0x7, v3  }
0x18e: {  	v61 =	vpop (erf)  }
0x18f: {  	[tilespmem:v59+s31+$0x0] =	vst.idx.msk $0xffff, v61  }
0x190: {  	[tilespmem:v60+s2+$0x0] =	vst.idx.msk $0xffff, v61  }
0x191: {  	v5 =	vld.idx.msk [tilespmem:v5+s28+$0x0], $0xffff  }
0x192: {  	v3 =	vld.idx.msk [tilespmem:v3+s20+$0x0], $0xffff;
	_ =	sdelay $0x4  }
0x193: {  	v3 =	vadd.f32 v3, v5;
	_ =	sdelay $0x1  }
0x194: {  	v3 =	vmul.f32 $1.442695020e+00, v3;
	_ =	sdelay $0x1  }
0x195: {  	(erf) = vpow2.f32 v3;
	_ =	sdelay $0x4  }
0x196: {  	v3 =	vor.u32 $0x7, v4  }
0x197: {  	p1 =	sne.s32 s23, $0x40;
	v62 =	vor.u32 $0x7, v6  }
.Ltmp2:
0x198: {  	_ = 	snop;
	(pc) =	sbr.rel @p1 .LBB2_7-.Ltmp2, $4  }
0x199: {  	_ = 	snop  }
0x19a: {  	v63 =	vpop (erf)  }
0x19b: {  	[tilespmem:v3+s31+$0x0] =	vst.idx.msk $0xffff, v63  }
0x19c: {  	s17 =	sadd.s32 $0x10, s17;
	s16 =	sadd.s32 $0x10, s16;
	s23 =	sadd.s32 $0x10, s23;
	[tilespmem:v62+s2+$0x0] =	vst.idx.msk $0xffff, v63  }
0x19d: {  	s0 =	simm.s32 $0x0  }
0x19e: {  	v3 =	vmov s0;
	_ =	sdelay $0x2  }
0x19f: {  	s17 =	simm.s32 $0x2A80  }
0x1a0: {  	v5 =	vld [tilespmem:s17+$0xFFFFFF90]  }
0x1a1: {  	v4 =	vld.idx.msk [tilespmem:v3+s31+$0x0], $0xffff;
	_ =	sdelay $0x2  }
0x1a2: {  	v6 =	vor.u32 $0x1, v3;
	_ =	sdelay $0x1  }
0x1a3: {  	v4 =	vmul.f32 v5, v4  }
0x1a4: {  	s16 =	simm.s32 $0x79D0  }
0x1a5: {  	[tilespmem:s16+$0xFFFFFFC0] =	vst v4  }
0x1a6: {  	v4 =	vld.idx.msk [tilespmem:v6+s31+$0x0], $0xffff  }
0x1a7: {  	v5 =	vld [tilespmem:s17+$0xFFFFFFA0];
	_ =	sdelay $0x2  }
0x1a8: {  	v6 =	vor.u32 $0x2, v3;
	_ =	sdelay $0x1  }
0x1a9: {  	v4 =	vmul.f32 v5, v4;
	_ =	sdelay $0x1  }
0x1aa: {  	[tilespmem:s16+$0xFFFFFFD0] =	vst v4  }
0x1ab: {  	v4 =	vld.idx.msk [tilespmem:v6+s31+$0x0], $0xffff  }
0x1ac: {  	v5 =	vld [tilespmem:s17+$0xFFFFFFB0];
	_ =	sdelay $0x2  }
0x1ad: {  	v6 =	vor.u32 $0x3, v3;
	_ =	sdelay $0x1  }
0x1ae: {  	v4 =	vmul.f32 v5, v4;
	_ =	sdelay $0x1  }
0x1af: {  	[tilespmem:s16+$0xFFFFFFE0] =	vst v4  }
0x1b0: {  	v4 =	vld.idx.msk [tilespmem:v6+s31+$0x0], $0xffff  }
0x1b1: {  	v5 =	vld [tilespmem:s17+$0xFFFFFFC0];
	_ =	sdelay $0x2  }
0x1b2: {  	v6 =	vor.u32 $0x4, v3;
	_ =	sdelay $0x1  }
0x1b3: {  	v4 =	vmul.f32 v5, v4;
	_ =	sdelay $0x1  }
0x1b4: {  	[tilespmem:s16+$0xFFFFFFF0] =	vst v4  }
0x1b5: {  	v4 =	vld.idx.msk [tilespmem:v6+s31+$0x0], $0xffff  }
0x1b6: {  	v5 =	vld [tilespmem:s17+$0xFFFFFFD0];
	_ =	sdelay $0x2  }
0x1b7: {  	v6 =	vor.u32 $0x5, v3;
	_ =	sdelay $0x1  }
0x1b8: {  	v4 =	vmul.f32 v5, v4;
	_ =	sdelay $0x1  }
0x1b9: {  	[tilespmem:s16+$0x0] =	vst v4  }
0x1ba: {  	v4 =	vld.idx.msk [tilespmem:v6+s31+$0x0], $0xffff  }
0x1bb: {  	v5 =	vld [tilespmem:s17+$0xFFFFFFE0];
	_ =	sdelay $0x2  }
0x1bc: {  	v6 =	vor.u32 $0x6, v3;
	_ =	sdelay $0x1  }
0x1bd: {  	v4 =	vmul.f32 v5, v4;
	_ =	sdelay $0x1  }
0x1be: {  	[tilespmem:s16+$0x10] =	vst v4  }
0x1bf: {  	v4 =	vld.idx.msk [tilespmem:v6+s31+$0x0], $0xffff  }
0x1c0: {  	v5 =	vld [tilespmem:s17+$0xFFFFFFF0];
	_ =	sdelay $0x2  }
0x1c1: {  	v3 =	vor.u32 $0x7, v3;
	_ =	sdelay $0x1  }
0x1c2: {  	v4 =	vmul.f32 v5, v4;
	_ =	sdelay $0x1  }
0x1c3: {  	[tilespmem:s16+$0x20] =	vst v4  }
0x1c4: {  	v4 =	vld.idx.msk [tilespmem:v3+s31+$0x0], $0xffff  }
0x1c5: {  	v5 =	vld [tilespmem:s17+$0x0];
	_ =	sdelay $0x1  }
0x1c6: {  	s24 =	simm.s32 $0x10  }
0x1c7: {  	v3 =	vmov s24;
	_ =	sdelay $0x1  }
0x1c8: {  	s23 =	simm.s32 $0x2;
	v4 =	vmul.f32 v5, v4  }
.LBB2_9:
0x1c9: {  	s17 =	sadd.s32 $0x100, s17  }
0x1ca: {  	s24 =	smov.u32 s23;
	s11 =	sadd.s32 $0x1, s23;
	[tilespmem:s16+$0x30] =	vst v4;
	s16 =	sadd.s32 $0x80, s16  }
0x1cb: {  	p1 =	sne.s32 s23, $0x4F;
	v4 =	vld.idx.msk [tilespmem:v3+s31+$0x0], $0xffff  }
0x1cc: {  	v5 =	vld [tilespmem:s17+$0xFFFFFF90];
	_ =	sdelay $0x2  }
0x1cd: {  	v6 =	vor.u32 $0x1, v3;
	_ =	sdelay $0x1  }
0x1ce: {  	v4 =	vmul.f32 v5, v4;
	_ =	sdelay $0x1  }
0x1cf: {  	[tilespmem:s16+$0xFFFFFFC0] =	vst v4  }
0x1d0: {  	v4 =	vld.idx.msk [tilespmem:v6+s31+$0x0], $0xffff  }
0x1d1: {  	v5 =	vld [tilespmem:s17+$0xFFFFFFA0];
	_ =	sdelay $0x2  }
0x1d2: {  	v6 =	vor.u32 $0x2, v3;
	_ =	sdelay $0x1  }
0x1d3: {  	v4 =	vmul.f32 v5, v4;
	_ =	sdelay $0x1  }
0x1d4: {  	[tilespmem:s16+$0xFFFFFFD0] =	vst v4  }
0x1d5: {  	v4 =	vld.idx.msk [tilespmem:v6+s31+$0x0], $0xffff  }
0x1d6: {  	v5 =	vld [tilespmem:s17+$0xFFFFFFB0];
	_ =	sdelay $0x2  }
0x1d7: {  	v6 =	vor.u32 $0x3, v3;
	_ =	sdelay $0x1  }
0x1d8: {  	v4 =	vmul.f32 v5, v4;
	_ =	sdelay $0x1  }
0x1d9: {  	[tilespmem:s16+$0xFFFFFFE0] =	vst v4  }
0x1da: {  	v4 =	vld.idx.msk [tilespmem:v6+s31+$0x0], $0xffff  }
0x1db: {  	v5 =	vld [tilespmem:s17+$0xFFFFFFC0];
	_ =	sdelay $0x2  }
0x1dc: {  	v6 =	vor.u32 $0x4, v3;
	_ =	sdelay $0x1  }
0x1dd: {  	v4 =	vmul.f32 v5, v4;
	_ =	sdelay $0x1  }
0x1de: {  	[tilespmem:s16+$0xFFFFFFF0] =	vst v4  }
0x1df: {  	v4 =	vld.idx.msk [tilespmem:v6+s31+$0x0], $0xffff  }
0x1e0: {  	v5 =	vld [tilespmem:s17+$0xFFFFFFD0];
	_ =	sdelay $0x2  }
0x1e1: {  	v6 =	vor.u32 $0x5, v3;
	_ =	sdelay $0x1  }
0x1e2: {  	v4 =	vmul.f32 v5, v4;
	_ =	sdelay $0x1  }
0x1e3: {  	[tilespmem:s16+$0x0] =	vst v4  }
0x1e4: {  	v4 =	vld.idx.msk [tilespmem:v6+s31+$0x0], $0xffff  }
0x1e5: {  	v5 =	vld [tilespmem:s17+$0xFFFFFFE0];
	_ =	sdelay $0x2  }
0x1e6: {  	v6 =	vor.u32 $0x6, v3;
	_ =	sdelay $0x1  }
0x1e7: {  	v4 =	vmul.f32 v5, v4;
	_ =	sdelay $0x1  }
0x1e8: {  	[tilespmem:s16+$0x10] =	vst v4  }
0x1e9: {  	v4 =	vld.idx.msk [tilespmem:v6+s31+$0x0], $0xffff  }
0x1ea: {  	v5 =	vld [tilespmem:s17+$0xFFFFFFF0];
	_ =	sdelay $0x2  }
0x1eb: {  	v3 =	vor.u32 $0x7, v3;
	_ =	sdelay $0x1  }
0x1ec: {  	v4 =	vmul.f32 v5, v4;
	_ =	sdelay $0x1  }
0x1ed: {  	[tilespmem:s16+$0x20] =	vst v4  }
0x1ee: {  	v4 =	vld.idx.msk [tilespmem:v3+s31+$0x0], $0xffff  }
0x1ef: {  	v5 =	vld [tilespmem:s17+$0x0]  }
.Ltmp3:
0x1f0: {  	(pc) =	sbr.rel @p1 .LBB2_9-.Ltmp3, $3  }
0x1f1: {  	s0 =	sshll.u32 s24, $0x4  }
0x1f2: {  	v3 =	vmov s0;
	_ =	sdelay $0x1  }
0x1f3: {  	s23 =	smov.u32 s11;
	v4 =	vmul.f32 v5, v4  }
0x1f4: {  	_ =	sdelay $0x2  }
0x1f5: {  	[tilespmem:s16+$0x30] =	vst v4  }
0x1f6: {  	s0 =	sadd.s32 $0x100, s17;
	v4 =	vld.idx.msk [tilespmem:v3+s31+$0x0], $0xffff  }
0x1f7: {  	v5 =	vld [tilespmem:s0+$0xFFFFFF90];
	_ =	sdelay $0x2  }
0x1f8: {  	v6 =	vor.u32 $0x1, v3;
	_ =	sdelay $0x1  }
0x1f9: {  	v4 =	vmul.f32 v5, v4  }
0x1fa: {  	s11 =	sadd.s32 $0x80, s16  }
0x1fb: {  	[tilespmem:s11+$0xFFFFFFC0] =	vst v4  }
0x1fc: {  	v4 =	vld.idx.msk [tilespmem:v6+s31+$0x0], $0xffff  }
0x1fd: {  	v53 =	vld [tilespmem:s0+$0xFFFFFFA0];
	_ =	sdelay $0x2  }
0x1fe: {  	v54 =	vor.u32 $0x2, v3;
	_ =	sdelay $0x1  }
0x1ff: {  	v4 =	vmul.f32 v53, v4;
	_ =	sdelay $0x1  }
0x200: {  	[tilespmem:s11+$0xFFFFFFD0] =	vst v4  }
0x201: {  	v4 =	vld.idx.msk [tilespmem:v54+s31+$0x0], $0xffff  }
0x202: {  	v55 =	vld [tilespmem:s0+$0xFFFFFFB0];
	_ =	sdelay $0x2  }
0x203: {  	v56 =	vor.u32 $0x3, v3;
	_ =	sdelay $0x1  }
0x204: {  	v4 =	vmul.f32 v55, v4;
	_ =	sdelay $0x1  }
0x205: {  	[tilespmem:s11+$0xFFFFFFE0] =	vst v4  }
0x206: {  	v4 =	vld.idx.msk [tilespmem:v56+s31+$0x0], $0xffff  }
0x207: {  	v57 =	vld [tilespmem:s0+$0xFFFFFFC0];
	_ =	sdelay $0x2  }
0x208: {  	v58 =	vor.u32 $0x4, v3;
	_ =	sdelay $0x1  }
0x209: {  	v4 =	vmul.f32 v57, v4;
	_ =	sdelay $0x1  }
0x20a: {  	[tilespmem:s11+$0xFFFFFFF0] =	vst v4  }
0x20b: {  	v4 =	vld.idx.msk [tilespmem:v58+s31+$0x0], $0xffff  }
0x20c: {  	v59 =	vld [tilespmem:s0+$0xFFFFFFD0];
	_ =	sdelay $0x2  }
0x20d: {  	v60 =	vor.u32 $0x5, v3;
	_ =	sdelay $0x1  }
0x20e: {  	v4 =	vmul.f32 v59, v4;
	_ =	sdelay $0x1  }
0x20f: {  	[tilespmem:s11+$0x0] =	vst v4  }
0x210: {  	v4 =	vld.idx.msk [tilespmem:v60+s31+$0x0], $0xffff  }
0x211: {  	v61 =	vld [tilespmem:s0+$0xFFFFFFE0];
	_ =	sdelay $0x2  }
0x212: {  	v62 =	vor.u32 $0x6, v3;
	_ =	sdelay $0x1  }
0x213: {  	v4 =	vmul.f32 v61, v4;
	_ =	sdelay $0x1  }
0x214: {  	[tilespmem:s11+$0x10] =	vst v4  }
0x215: {  	v4 =	vld.idx.msk [tilespmem:v62+s31+$0x0], $0xffff  }
0x216: {  	v63 =	vld [tilespmem:s0+$0xFFFFFFF0];
	_ =	sdelay $0x2  }
0x217: {  	v3 =	vor.u32 $0x7, v3;
	_ =	sdelay $0x1  }
0x218: {  	v4 =	vmul.f32 v63, v4;
	_ =	sdelay $0x1  }
0x219: {  	[tilespmem:s11+$0x20] =	vst v4  }
0x21a: {  	v3 =	vld.idx.msk [tilespmem:v3+s31+$0x0], $0xffff  }
0x21b: {  	v4 =	vld [tilespmem:s0+$0x0];
	_ =	sdelay $0x4  }
0x21c: {  	v3 =	vmul.f32 v4, v3  }
0x21d: {  	s23 =	sshll.u32 s15, $0x4  }
0x21e: {  	s24 =	sshll.u32 s15, $0x1;
	s0 =	sadd.s32 s4, s23;
	[tilespmem:s11+$0x30] =	vst v3  }
0x21f: {  	[hbm4b:s0+s7] =	stream.linear.scatter [tilespmem:s18], [sflag:$0x1], $0x2800, $0x38;
	[tilespmem:$0x1E760] =	vst v63  }
0x220: {  	s0 =	sadd.s32 s5, s24  }
0x221: {  	[hbm4b:s0+s7] =	stream.linear.scatter [tilespmem:s31], [sflag:$0x2], $0x500, $0x38;
	[tilespmem:$0x1E760] =	vst v63  }
0x222: {  	_ = 	snop  }
0x223: {  	[spmem:s6] =	stream.indirect.scatter.add.f32 [tilespmem:s18], [sflag:$0x3], $0x80, s21, s22, $0xb8;
	[tilespmem:$0x1E760] =	vst v63  }
0x224: {  	_ =	swait.ge [sflag:s19], $0x2800  }
0x225: {  	[sflag:s19] =	ssyncset.done $0x0  }
0x226: {  	[sflag:s19] =	ssyncadd.s32 $0xFFFFD800  }
0x227: {  	[spmem:s6] =	stream.indirect.scatter.add.f32 [tilespmem:s2], [sflag:$0x3], $0x80, s8, s22, $0xb8;
	[tilespmem:$0x1E760] =	vst v63  }
0x228: {  	_ =	swait.ge [sflag:s19], $0x2800  }
0x229: {  	[sflag:s19] =	ssyncset.done $0x0  }
0x22a: {  	s13 =	sadd.s32 $0x1, s13;
	[sflag:s19] =	ssyncadd.s32 $0xFFFFD800  }
0x22b: {  	p1 =	sne.s32 s13, $0x7D;
	_ =	swait.ge [sflag:s26], $0x2800  }
.Ltmp4:
0x22c: {  	[sflag:s26] =	ssyncset.done $0x0;
	(pc) =	sbr.rel @p1 .LBB2_4-.Ltmp4, $4  }
0x22d: {  	[sflag:s26] =	ssyncadd.s32 $0xFFFFD800  }
0x22e: {  	_ =	swait.ge [sflag:s30], $0x500  }
0x22f: {  	[sflag:s30] =	ssyncset.done $0x0  }
0x230: {  	[sflag:s30] =	ssyncadd.s32 $0xFFFFFB00  }
0x231: {  	s0 =	stileid.u32;
	[bflag:$0x0] =	sbarrier.arrive $0xFFFF  }
0x232: {  	s0 =	sshll.u32 s0, $0x6;
	s11 =	rddreg [dreg:$0xd]  }
0x233: {  	s12 =	rddreg [dreg:$0x10];
	s0 =	sor.u32 $0x1C03, s0  }
0x234: {  	[hbm:s11], [sflag:s0] =	dma.local [spmem:s12], $0x1000  }
0x235: {  	_ =	swait.ge [sflag:s19], $0x1000  }
0x236: {  	[sflag:s19] =	ssyncset.done $0x0;
	s11 =	rddreg [dreg:$0xe]  }
0x237: {  	s12 =	rddreg [dreg:$0x11];
	[sflag:s19] =	ssyncadd.s32 $0xFFFFF000  }
0x238: {  	[hbm:s11], [sflag:s0] =	dma.local @!p0 [spmem:s12], $0x200  }
0x239: {  	s0 =	simm.s32 @!p0 $0x3  }
0x23a: {  	_ =	swait.ge @!p0 [sflag:s0], $0x200  }
0x23b: {  	s23 =	rddreg [dreg:$0x12]  }
0x23c: {  	s24 =	rddreg [dreg:$0xf];
	s12 =	sadd.s32 $0x1, s23  }
0x23d: {  	p1 =	sne.s32 s12, s24  }
.Ltmp5:
0x23e: {  	_ = 	snop;
	(pc) =	sbr.rel @p1 .LBB2_1-.Ltmp5, $3  }
0x23f: {  	_ =	sdelay $0x1  }
0x240: {  	[sflag:s0] =	ssyncset.done @!p0 $0x0  }
0x241: {  	[sflag:s0] =	ssyncadd.s32 @!p0 $0xFFFFFE00  }
0x242: {  	_ =	sfence.sel $0x180000  }
0x243: {  	[bflag:$0x0] =	sbarrier.arrive $0xFFFF  }
0x244: {  	_ =	strace $0x90000047  }
0x245: {  	s0 =	stileid.u32;
	[bflag:$0x2] =	sbarrier.arrive $0xFFFF  }
0x246: {  	p0 =	sne.s32 s0, $0x0;
	s0 =	rddreg [dreg:$0x9]  }
0x247: {  	s0 =	sadd.s32 @!p0 $0x100000, s0  }
0x248: {  	[sflag:s0] =	ssyncadd.tile.s32 @!p0 $0x1;
	_ =	shalt  }
.Lfunc_end2:
_tile_overlayer_lowered:
.L_overlay_start_2:
0x249: {  	(tag) =	ssettag $0x2  }
0x24a: {  	s0 =	rddreg [dreg:$0x0];
	s2 =	stileid.u32  }
0x24b: {  	s1 =	rddreg [dreg:$0x1];
	p0 =	sne.s32 s2, $0x0  }
0x24c: {  	s3 =	rddreg [dreg:$0x2];
	[bflag:$0x3] =	sbarrier.arrive $0xFFFF;
	s2 =	simm.s32 @!p0 $0x1C03  }
0x24d: {  	[timem:s3], [sflag:s2] =	dma.local @!p0 [hbm:s0], s1  }
0x24e: {  	s0 =	simm.s32 @!p0 $0x3  }
0x24f: {  	_ =	swait.ge @!p0 [sflag:s0], s1  }
0x250: {  	s1 =	ssub.s32 @!p0 $0x0, s1;
	[sflag:s0] =	ssyncset.done @!p0 $0x0  }
0x251: {  	[sflag:s0] =	ssyncadd.s32 @!p0 s1  }
0x252: {  	[bflag:$0x3] =	sbarrier.arrive $0xFFFF  }
0x253: {  	_ =	shalt  }

</sc_bundles>
